<compile_context>
chip_gen: v7x
topology: tpu7x:2x2x1
jax: 0.10.2.dev20260603
libtpu: 0.0.44.dev20260713+nightly
codegen_flags: <defaults>
</compile_context>

<pallas_src>
import functools

import jax
import jax.numpy as jnp
from jax import lax
from jax.experimental import pallas as pl
from jax.experimental.pallas import tpu as pltpu
import jax.experimental.pallas.tpu_sc as plsc

N = 10000
NPAD = 10240
E = 160000
G = 100
EPS = 1e-5
C = 40
NCH = E // C
NC, NS = 2, 16
NW = NC * NS
EB = 10000
NEB = E // EB
NB = 1000
NNB = N // NB

_SC_MESH = dict(core_axis_name="c", subcore_axis_name="s")


@functools.partial(jax.jit, static_argnames=("dl",))
def _sc_gather_concat(table, dstc, srcc, *, dl):
    nh = dl // 16
    dh = 2 * dl
    cpt = NCH // NW

    @functools.partial(
        pl.kernel,
        out_type=jax.ShapeDtypeStruct((E, dh), jnp.float32),
        mesh=plsc.VectorSubcoreMesh(**_SC_MESH),
        scratch_types=[
            pltpu.VMEM((cpt, C), jnp.int32),
            pltpu.VMEM((cpt, C), jnp.int32),
            pltpu.VMEM((C, 128), jnp.float32),
            pltpu.VMEM((C, 128), jnp.float32),
            pltpu.VMEM((C, 128), jnp.float32),
            pltpu.VMEM((C, 128), jnp.float32),
            pltpu.VMEM((C, dh), jnp.float32),
            pltpu.VMEM((C, dh), jnp.float32),
            pltpu.SemaphoreType.DMA,
            pltpu.SemaphoreType.DMA,
            pltpu.SemaphoreType.DMA,
            pltpu.SemaphoreType.DMA,
            pltpu.SemaphoreType.DMA,
            pltpu.SemaphoreType.DMA,
        ],
    )
    def k(t_hbm, dst_hbm, src_hbm, y_hbm,
          dall, sall, pbuf0, pbuf1, qbuf0, qbuf1, ybuf0, ybuf1,
          semp0, semp1, semq0, semq1, semy0, semy1):
        wid = lax.axis_index("s") * NC + lax.axis_index("c")
        lo = wid * cpt
        pbufs = (pbuf0, pbuf1)
        qbufs = (qbuf0, qbuf1)
        ybufs = (ybuf0, ybuf1)
        semps = (semp0, semp1)
        semqs = (semq0, semq1)
        semys = (semy0, semy1)
        pltpu.sync_copy(dst_hbm.at[wid], dall)
        pltpu.sync_copy(src_hbm.at[wid], sall)

        def issue_gather(i, b):
            pltpu.async_copy(t_hbm.at[dall.at[i]], pbufs[b], semps[b])
            pltpu.async_copy(t_hbm.at[sall.at[i]], qbufs[b], semqs[b])

        def wait_gather(b):
            pltpu.make_async_copy(t_hbm.at[dall.at[0]],
                                  pbufs[b], semps[b]).wait()
            pltpu.make_async_copy(t_hbm.at[sall.at[0]],
                                  qbufs[b], semqs[b]).wait()

        def wait_ywrite(b):
            pltpu.make_async_copy(ybufs[b], y_hbm.at[pl.ds(0, C), :],
                                  semys[b]).wait()

        def compute(i, b):
            def row_body(r, _):
                for f in range(nh):
                    p = pbufs[b][r, pl.ds(f * 16, 16)]
                    q = qbufs[b][r, pl.ds(f * 16, 16)]
                    ybufs[b][r, pl.ds(f * 16, 16)] = p
                    ybufs[b][r, pl.ds((nh + f) * 16, 16)] = q - p
                return 0

            lax.fori_loop(0, C, row_body, 0)
            pltpu.async_copy(
                ybufs[b], y_hbm.at[pl.ds((lo + i) * C, C), :], semys[b])

        issue_gather(0, 0)
        issue_gather(1, 1)

        def pair_body(gp, _):
            for b in range(2):
                i = gp * 2 + b
                wait_gather(b)

                @pl.when(gp > 0)
                def _():
                    wait_ywrite(b)

                compute(i, b)

                @pl.when(i + 2 < cpt)
                def _():
                    issue_gather(i + 2, b)

            return 0

        lax.fori_loop(0, cpt // 2, pair_body, 0)
        if cpt % 2:
            wait_gather(0)
            wait_ywrite(0)
            compute(cpt - 1, 0)
        for b in range(2):
            wait_ywrite(b)

    return k(table, dstc, srcc)


@functools.partial(jax.jit, static_argnames=("d",))
def _sc_scatter(h, ss, dstc, *, d):
    split_feat = d > 128
    hw = d // 2 if split_feat else d
    nf = hw // 16
    cpt = NCH // NS if split_feat else NCH // NW
    rpt = NPAD // NS
    out_ty = (jax.ShapeDtypeStruct((NPAD, d), jnp.float32) if split_feat
              else jax.ShapeDtypeStruct((NC, NPAD, d), jnp.float32))

    @functools.partial(
        pl.kernel,
        out_type=out_ty,
        mesh=plsc.VectorSubcoreMesh(**_SC_MESH),
        scratch_types=[
            pltpu.VMEM((32, C), jnp.int32),
            pltpu.VMEM((C, hw), jnp.float32),
            pltpu.VMEM((C, hw), jnp.float32),
            pltpu.VMEM((128, hw), jnp.float32),
            pltpu.VMEM((2, hw), jnp.float32),
            pltpu.VMEM_SHARED((NPAD, hw), jnp.float32),
            pltpu.SemaphoreType.DMA,
            pltpu.SemaphoreType.DMA,
        ],
    )
    def k(h_hbm, ss_hbm, dst_hbm, out_hbm,
          iall, rows0, rows1, zbuf, ssbuf, acc, semr0, semr1):
        c = lax.axis_index("c")
        s = lax.axis_index("s")
        w = s if split_feat else c * NS + s
        lo = w * cpt
        rowsb = (rows0, rows1)
        semrs = (semr0, semr1)
        pltpu.sync_copy(ss_hbm.at[c], ssbuf)

        def issue_read(i, b):
            if split_feat:
                @pl.when(c == 0)
                def _():
                    pltpu.async_copy(
                        h_hbm.at[pl.ds((lo + i) * C, C), pl.ds(0, hw)],
                        rowsb[b], semrs[b])

                @pl.when(c == 1)
                def _():
                    pltpu.async_copy(
                        h_hbm.at[pl.ds((lo + i) * C, C), pl.ds(hw, hw)],
                        rowsb[b], semrs[b])
            else:
                pltpu.async_copy(h_hbm.at[pl.ds((lo + i) * C, C), :],
                                 rowsb[b], semrs[b])

        issue_read(0, 0)
        issue_read(1, 1)
        sv = [ssbuf[0, pl.ds(f * 16, 16)] for f in range(nf)]
        tv = [ssbuf[1, pl.ds(f * 16, 16)] for f in range(nf)]

        def zrow(r, _):
            for f in range(nf):
                zbuf[r, pl.ds(f * 16, 16)] = jnp.zeros((16,), jnp.float32)
            return 0

        lax.fori_loop(0, 128, zrow, 0)
        r0 = s * rpt

        def zchunk(kk, _):
            pltpu.sync_copy(zbuf, acc.at[pl.ds(r0 + kk * 128, 128), :])
            return 0

        lax.fori_loop(0, rpt // 128, zchunk, 0)
        plsc.subcore_barrier()

        def process(i, b):
            pltpu.make_async_copy(
                h_hbm.at[pl.ds(0, C), pl.ds(0, hw)],
                rowsb[b], semrs[b]).wait()

            def row_body(r, _):
                for f in range(nf):
                    v = rowsb[b][r, pl.ds(f * 16, 16)]
                    rowsb[b][r, pl.ds(f * 16, 16)] = jnp.maximum(
                        v * sv[f] + tv[f], 0.0)
                return 0

            lax.fori_loop(0, C, row_body, 0)
            pltpu.sync_copy(rowsb[b], acc.at[iall.at[lax.rem(i, 32)]],
                            add=True)

        def pair_body(gp, _):
            @pl.when(lax.rem(gp, 16) == 0)
            def _():
                pltpu.sync_copy(
                    dst_hbm.at[w, pl.ds(pl.multiple_of(gp * 2, 32), 32), :],
                    iall)

            for b in range(2):
                i = gp * 2 + b
                process(i, b)

                @pl.when(i + 2 < cpt)
                def _():
                    issue_read(i + 2, b)

            return 0

        lax.fori_loop(0, cpt // 2, pair_body, 0)
        if cpt % 2:
            process(cpt - 1, 0)
        plsc.subcore_barrier()

        def wchunk(kk, _):
            rr = r0 + kk * 128
            if split_feat:
                @pl.when(c == 0)
                def _():
                    pltpu.sync_copy(acc.at[pl.ds(rr, 128), :],
                                    out_hbm.at[pl.ds(rr, 128), pl.ds(0, hw)])

                @pl.when(c == 1)
                def _():
                    pltpu.sync_copy(acc.at[pl.ds(rr, 128), :],
                                    out_hbm.at[pl.ds(rr, 128), pl.ds(hw, hw)])
            else:
                pltpu.sync_copy(acc.at[pl.ds(rr, 128), :],
                                out_hbm.at[c, pl.ds(rr, 128), :])
            return 0

        lax.fori_loop(0, rpt // 128, wchunk, 0)

    return k(h, ss, dstc)


@functools.partial(jax.jit, static_argnames=("d", "ones_col"))
def _tc_scaleshift(spart, gamma, beta, *, d, ones_col):
    hw = d // 2 if d > 128 else d

    def body(sp_ref, g_ref, b_ref, out_ref):
        scale, shift = _bn_scale_shift(sp_ref, g_ref, b_ref)
        if ones_col:
            ci = lax.iota(jnp.int32, d)
            scale = jnp.where(ci == 64, 0.0, scale)
            shift = jnp.where(ci == 64, 1.0, shift)
        ss = jnp.stack([scale, shift])
        if d > 128:
            out_ref[...] = jnp.stack([ss[:, :hw], ss[:, hw:]])
        else:
            out_ref[...] = jnp.stack([ss, ss])

    K = spart.shape[0]
    return pl.pallas_call(
        body,
        grid=(1,),
        in_specs=[
            pl.BlockSpec((K, 2, d), lambda i: (0, 0, 0)),
            pl.BlockSpec((1, d), lambda i: (0, 0)),
            pl.BlockSpec((1, d), lambda i: (0, 0)),
        ],
        out_specs=pl.BlockSpec((NC, 2, hw), lambda i: (0, 0, 0)),
        out_shape=jax.ShapeDtypeStruct((NC, 2, hw), jnp.float32),
    )(spart, gamma, beta)


def _finalize_body(agg_ref, cnt_ref, h_ref):
    cc = cnt_ref[...]
    cnt = cc[0, :, 64] + cc[1, :, 64]
    inv = 1.0 / jnp.maximum(cnt, 1.0)
    aa = agg_ref[...]
    h_ref[...] = jax.nn.relu((aa[0] + aa[1]) * inv[:, None])


@jax.jit
def _tc_finalize(agg, cntsrc):
    return pl.pallas_call(
        _finalize_body,
        grid=(NNB,),
        in_specs=[
            pl.BlockSpec((NC, NB, 128), lambda i: (0, i, 0)),
            pl.BlockSpec((NC, NB, 128), lambda i: (0, i, 0)),
        ],
        out_specs=pl.BlockSpec((NB, 128), lambda i: (i, 0)),
        out_shape=jax.ShapeDtypeStruct((N, 128), jnp.float32),
    )(agg, cntsrc)


def _first_body(y_ref, w_ref, yn_ref, st_ref):
    i = pl.program_id(0)
    yn = jnp.dot(y_ref[...], w_ref[...], preferred_element_type=jnp.float32)
    yn_ref[...] = yn

    @pl.when(i == 0)
    def _():
        st_ref[...] = jnp.zeros_like(st_ref)

    st_ref[...] = st_ref[...] + jnp.stack(
        [jnp.sum(yn, axis=0), jnp.sum(yn * yn, axis=0)])


@jax.jit
def _tc_first(H, W):
    dh, d = W.shape
    return pl.pallas_call(
        _first_body,
        grid=(NEB,),
        in_specs=[
            pl.BlockSpec((EB, dh), lambda i: (i, 0)),
            pl.BlockSpec((dh, d), lambda i: (0, 0)),
        ],
        out_specs=[
            pl.BlockSpec((EB, d), lambda i: (i, 0)),
            pl.BlockSpec((2, d), lambda i: (0, 0)),
        ],
        out_shape=[
            jax.ShapeDtypeStruct((E, d), jnp.float32),
            jax.ShapeDtypeStruct((2, d), jnp.float32),
        ],
    )(H, W)


def _bn_scale_shift(sp_ref, g_ref, b_ref):
    sp = jnp.sum(sp_ref[...], axis=0)
    mu = sp[0] * (1.0 / E)
    var = sp[1] * (1.0 / E) - mu * mu
    rstd = lax.rsqrt(var + EPS)
    scale = g_ref[...][0] * rstd
    shift = b_ref[...][0] - mu * scale
    return scale, shift


def _mid_body(sp_ref, y_ref, g_ref, b_ref, w_ref, yn_ref, st_ref):
    i = pl.program_id(0)
    scale, shift = _bn_scale_shift(sp_ref, g_ref, b_ref)
    h = jax.nn.relu(y_ref[...] * scale[None, :] + shift[None, :])
    yn = jnp.dot(h, w_ref[...], preferred_element_type=jnp.float32)
    yn_ref[...] = yn

    @pl.when(i == 0)
    def _():
        st_ref[...] = jnp.zeros_like(st_ref)

    st_ref[...] = st_ref[...] + jnp.stack(
        [jnp.sum(yn, axis=0), jnp.sum(yn * yn, axis=0)])


@jax.jit
def _tc_mid(Y, spart, gamma, beta, W):
    d = Y.shape[1]
    K = spart.shape[0]
    return pl.pallas_call(
        _mid_body,
        grid=(NEB,),
        in_specs=[
            pl.BlockSpec((K, 2, d), lambda i: (0, 0, 0)),
            pl.BlockSpec((EB, d), lambda i: (i, 0)),
            pl.BlockSpec((1, d), lambda i: (0, 0)),
            pl.BlockSpec((1, d), lambda i: (0, 0)),
            pl.BlockSpec((d, d), lambda i: (0, 0)),
        ],
        out_specs=[
            pl.BlockSpec((EB, d), lambda i: (i, 0)),
            pl.BlockSpec((2, d), lambda i: (0, 0)),
        ],
        out_shape=[
            jax.ShapeDtypeStruct((E, d), jnp.float32),
            jax.ShapeDtypeStruct((2, d), jnp.float32),
        ],
    )(spart, Y, gamma, beta, W)


def _final_body(agg_ref, cnt_ref, bvec_ref, bsm_ref, w1_ref, b1_ref,
                w2_ref, b2_ref, out_ref, pooled_ref):
    i = pl.program_id(0)

    @pl.when(i == 0)
    def _():
        pooled_ref[...] = jnp.full_like(pooled_ref, -jnp.inf)
        out_ref[...] = jnp.zeros_like(out_ref)

    cc = cnt_ref[...]
    cnt = cc[0, :, 64] + cc[1, :, 64]
    inv = 1.0 / jnp.maximum(cnt, 1.0)
    h = jax.nn.relu(agg_ref[...] * inv[:, None])
    bvec = bvec_ref[...]
    blo = bsm_ref[i * NB]
    bhi = bsm_ref[i * NB + NB - 1]
    for gc in range((G + 7) // 8):

        @pl.when((blo < 8 * gc + 8) & (bhi >= 8 * gc))
        def _():
            for g8 in range(8):
                g = gc * 8 + g8
                if g < G:
                    m = bvec == g
                    mv = jnp.max(jnp.where(m, h, -jnp.inf), axis=0)
                    pooled_ref[g, :] = jnp.maximum(pooled_ref[g, :], mv)

    @pl.when(i == NNB - 1)
    def _():
        p = pooled_ref[...]
        p = jnp.where(jnp.isfinite(p), p, 0.0)
        hh = jax.nn.relu(
            jnp.dot(p, w1_ref[...], preferred_element_type=jnp.float32)
            + b1_ref[...][0][None, :])
        out_ref[...] = (
            jnp.dot(hh, w2_ref[...], preferred_element_type=jnp.float32)
            + b2_ref[...][0][None, :])


@jax.jit
def _tc_final(agg, cnt16, bvec, batch, w1, b1, w2, b2):
    d = agg.shape[1]
    no = w2.shape[1]
    return pl.pallas_call(
        _final_body,
        grid=(NNB,),
        in_specs=[
            pl.BlockSpec((NB, d), lambda i: (i, 0)),
            pl.BlockSpec((NC, NB, 128), lambda i: (0, i, 0)),
            pl.BlockSpec((NB, 1), lambda i: (i, 0)),
            pl.BlockSpec((N,), lambda i: (0,), memory_space=pltpu.SMEM),
            pl.BlockSpec((d, d), lambda i: (0, 0)),
            pl.BlockSpec((1, d), lambda i: (0, 0)),
            pl.BlockSpec((d, no), lambda i: (0, 0)),
            pl.BlockSpec((1, no), lambda i: (0, 0)),
        ],
        out_specs=pl.BlockSpec((G, no), lambda i: (0, 0)),
        out_shape=jax.ShapeDtypeStruct((G, no), jnp.float32),
        scratch_shapes=[pltpu.VMEM((G, d), jnp.float32)],
    )(agg, cnt16, bvec, batch, w1, b1, w2, b2)


def _pad_to(a, rows, cols):
    return jnp.pad(a, ((0, rows - a.shape[0]), (0, cols - a.shape[1])))


def _conv(table, cntsrc, dstc, srcc, dstc_s, layers, dl, dg, first):
    dn = layers[0]["W"].shape[1]
    W1 = layers[0]["W"]
    dp = W1.shape[0] // 2
    if first:
        W1p = jnp.zeros((2 * dl, dg), jnp.float32)
        W1p = W1p.at[0:dp, 0:dn].set(W1[:dp])
        W1p = W1p.at[dl:dl + dp, 0:dn].set(W1[dp:])
    else:
        W1p = _pad_to(W1, 2 * dl, dg)
    H = _sc_gather_concat(table, dstc, srcc, dl=dl)
    Y1, s1 = _tc_first(H, W1p)
    g = [_pad_to(lyr["gamma"].reshape(1, dn), 1, dg) for lyr in layers]
    b = [_pad_to(lyr["beta"].reshape(1, dn), 1, dg) for lyr in layers]
    W2 = _pad_to(layers[1]["W"], dg, dg)
    W3 = _pad_to(layers[2]["W"], dg, dg)
    Y2, s2 = _tc_mid(Y1, s1[None], g[0], b[0], W2)
    Y3, s3 = _tc_mid(Y2, s2[None], g[1], b[1], W3)
    ss = _tc_scaleshift(s3[None], g[2], b[2], d=dg, ones_col=first)
    return _sc_scatter(Y3, ss, dstc_s, d=dg)


def kernel(x, edge_index, batch, params):
    srcc = edge_index[0].reshape(NW, NCH // NW, C)
    dstc = edge_index[1].reshape(NW, NCH // NW, C)
    dstc_a = jnp.pad(dstc, ((0, 0), (0, 3), (0, 0)))
    dstc_b = jnp.pad(edge_index[1].reshape(NS, NCH // NS, C),
                     ((0, 0), (0, 6), (0, 0)))
    x_pad = jnp.pad(x, ((0, 0), (0, 128 - x.shape[1])))
    agg1 = _conv(x_pad, None, dstc, srcc, dstc_a, params["conv1"], 64, 128,
                 first=True)
    h1 = _tc_finalize(agg1, agg1)
    agg2 = _conv(h1, agg1, dstc, srcc, dstc_a, params["conv2"], 64, 128,
                 first=False)
    h2 = _tc_finalize(agg2, agg1)
    agg = _conv(h2, agg1, dstc, srcc, dstc_b, params["conv3"], 128, 256,
                 first=False)
    return _tc_final(
        agg, agg1, batch.reshape(N, 1), batch,
        params["fc1_W"], params["fc1_b"].reshape(1, -1),
        params["out_W"], params["out_b"].reshape(1, -1))

# --- scband reference (transcript-rebuilt; emitter-appended) ---
"""Pipeline reference for scband-teacher-gnn-13237089206559 (READ-ONLY COPY).

The authoritative reference and input builder live on the scoring server;
editing this copy changes nothing except your own understanding.
"""

import jax, jax.numpy as jnp
import numpy as np

N_NODES = 10000
N_EDGES = 160000
N_GRAPHS = 100
EPS = 1e-5

def _make_mlp(key, sizes):
    params = []
    for i, (fi, fo) in enumerate(sizes):
        k1, _ = jax.random.split(jax.random.fold_in(key, i))
        W = jax.random.normal(k1, (fi, fo), dtype=jnp.float32) * (1.0 / np.sqrt(fi))
        b = jnp.zeros((fo,), dtype=jnp.float32)
        g = jnp.ones((fo,), dtype=jnp.float32)
        be = jnp.zeros((fo,), dtype=jnp.float32)
        params.append({"W": W, "b": b, "gamma": g, "beta": be})
    return params

def _mlp_apply(h, layers):
    for p in layers:
        h = h @ p["W"] + p["b"]
        mu = jnp.mean(h, axis=0)
        var = jnp.var(h, axis=0)
        h = p["gamma"] * (h - mu) / jnp.sqrt(var + EPS) + p["beta"]
        h = jax.nn.relu(h)
    return h

def _edge_conv(x, edge_index, layers):
    src = edge_index[0]
    dst = edge_index[1]
    xi = x[dst]
    xj = x[src]
    h = jnp.concatenate([xi, xj - xi], axis=1)
    h = _mlp_apply(h, layers)
    s = jax.ops.segment_sum(h, dst, num_segments=N_NODES)
    cnt = jax.ops.segment_sum(jnp.ones((dst.shape[0],), jnp.float32), dst, num_segments=N_NODES)
    return s / jnp.clip(cnt, 1.0)[:, None]

def _forward(x, edge_index, batch, params):
    h = jax.nn.relu(_edge_conv(x, edge_index, params["conv1"]))
    h = jax.nn.relu(_edge_conv(h, edge_index, params["conv2"]))
    h = jax.nn.relu(_edge_conv(h, edge_index, params["conv3"]))
    pooled = jax.ops.segment_max(h, batch, num_segments=N_GRAPHS)
    pooled = jnp.where(jnp.isfinite(pooled), pooled, 0.0)
    h = jax.nn.relu(pooled @ params["fc1_W"] + params["fc1_b"])
    # dropout is identity in eval/reference mode
    return h @ params["out_W"] + params["out_b"]

def setup_inputs(seed: int = 0):
    key = jax.random.key(seed)
    kx, ke, kb, kp = jax.random.split(key, 4)
    x = jax.random.normal(kx, (N_NODES, 4), dtype=jnp.float32)
    edge_index = jax.random.randint(ke, (2, N_EDGES), 0, N_NODES, dtype=jnp.int32)
    batch = jnp.sort(jax.random.randint(kb, (N_NODES,), 0, N_GRAPHS, dtype=jnp.int32))
    params = {
        "conv1": _make_mlp(jax.random.fold_in(kp, 1), [(8, 64), (64, 64), (64, 64)]),
        "conv2": _make_mlp(jax.random.fold_in(kp, 2), [(128, 128), (128, 128), (128, 128)]),
        "conv3": _make_mlp(jax.random.fold_in(kp, 3), [(256, 256), (256, 256), (256, 256)]),
    }
    kf = jax.random.fold_in(kp, 4)
    k1, k2 = jax.random.split(kf)
    params["fc1_W"] = jax.random.normal(k1, (256, 256), dtype=jnp.float32) / 16.0
    params["fc1_b"] = jnp.zeros((256,), dtype=jnp.float32)
    params["out_W"] = jax.random.normal(k2, (256, 2), dtype=jnp.float32) / 16.0
    params["out_b"] = jnp.zeros((2,), dtype=jnp.float32)
    return {"x": x, "edge_index": edge_index, "batch": batch, "params": params}

def reference(x, edge_index, batch, params):
    return _forward(x, edge_index, batch, params)

if __name__ == "__main__":
    import jax
    _d = setup_inputs()
    print(jax.jit(kernel)(*tuple(_d.values())))

</pallas_src>

<mosaic_0001>
#map = affine_map<(d0, d1) -> (0, 0)>
#map1 = affine_map<(d0, d1) -> (0, 0, 0)>
module attributes {stable_mosaic.version = 14 : i64} {
  func.func @k(%arg0: i32, %arg1: i32, %arg2: memref<10000x128xf32, #tpu.memory_space<hbm>>, %arg3: memref<32x125x40xi32, #tpu.memory_space<hbm>>, %arg4: memref<32x125x40xi32, #tpu.memory_space<hbm>>, %arg5: memref<160000x128xf32, #tpu.memory_space<hbm>>, %arg6: memref<125x40xi32, #tpu.memory_space<vmem>>, %arg7: memref<125x40xi32, #tpu.memory_space<vmem>>, %arg8: memref<40x128xf32, #tpu.memory_space<vmem>>, %arg9: memref<40x128xf32, #tpu.memory_space<vmem>>, %arg10: memref<40x128xf32, #tpu.memory_space<vmem>>, %arg11: memref<40x128xf32, #tpu.memory_space<vmem>>, %arg12: memref<40x128xf32, #tpu.memory_space<vmem>>, %arg13: memref<40x128xf32, #tpu.memory_space<vmem>>, %arg14: memref<!tpu.dma_semaphore, #tpu.memory_space<semaphore_mem>>, %arg15: memref<!tpu.dma_semaphore, #tpu.memory_space<semaphore_mem>>, %arg16: memref<!tpu.dma_semaphore, #tpu.memory_space<semaphore_mem>>, %arg17: memref<!tpu.dma_semaphore, #tpu.memory_space<semaphore_mem>>, %arg18: memref<!tpu.dma_semaphore, #tpu.memory_space<semaphore_mem>>, %arg19: memref<!tpu.dma_semaphore, #tpu.memory_space<semaphore_mem>>) attributes {dimension_semantics = [#tpu.dimension_semantics<core_parallel>, #tpu.dimension_semantics<subcore_parallel>], iteration_bounds = array<i64: 2, 16>, scalar_prefetch = 0 : i64, scratch_operands = 14 : i64, tpu.core_type = #tpu.core_type<sc_vector_subcore>, window_params = [{transform_indices = #map}, {transform_indices = #map1}, {transform_indices = #map1}, {transform_indices = #map}]} {
    %mul3A = arith.constant 2 : i32
    %mul3A_0 = arith.muli %arg1, %mul3A : i32
    %add3A = arith.addi %mul3A_0, %arg0 : i32
    %mul3A_1 = arith.constant 125 : i32
    %mul3A_2 = arith.muli %add3A, %mul3A_1 : i32
    "tpu.region"() ({
      %run_scoped3A = tpu.sem_alloc : memref<!tpu.dma_semaphore, #tpu.memory_space<semaphore_mem>>
      %dma_start3A_82 = arith.constant 0 : i32
      %dma_start3A_83 = arith.constant 0 : i32
      %dma_start3A_84 = tpu.memref_slice %arg3[%add3A, %dma_start3A_82, %dma_start3A_83] : memref<32x125x40xi32, #tpu.memory_space<hbm>> -> memref<1x125x40xi32, #tpu.memory_space<hbm>>
      %dma_start3A_85 = tpu.memref_squeeze %dma_start3A_84 : memref<1x125x40xi32, #tpu.memory_space<hbm>> -> memref<125x40xi32, #tpu.memory_space<hbm>>
      %dma_start3A_86 = arith.constant 0 : i32
      %dma_start3A_87 = arith.constant 0 : i32
      %dma_start3A_88 = tpu.memref_slice %arg3[%add3A, %dma_start3A_86, %dma_start3A_87] : memref<32x125x40xi32, #tpu.memory_space<hbm>> -> memref<1x125x40xi32, #tpu.memory_space<hbm>>
      %dma_start3A_89 = tpu.memref_squeeze %dma_start3A_88 : memref<1x125x40xi32, #tpu.memory_space<hbm>> -> memref<125x40xi32, #tpu.memory_space<hbm>>
      tpu.enqueue_dma source(%dma_start3A_89 : memref<125x40xi32, #tpu.memory_space<hbm>>) target(%arg6 : memref<125x40xi32, #tpu.memory_space<vmem>>) target_semaphore(%run_scoped3A : memref<!tpu.dma_semaphore, #tpu.memory_space<semaphore_mem>>)
      %dma_wait3A_90 = arith.constant 0 : i32
      %dma_wait3A_91 = arith.constant 0 : i32
      %dma_wait3A_92 = tpu.memref_slice %arg3[%add3A, %dma_wait3A_90, %dma_wait3A_91] : memref<32x125x40xi32, #tpu.memory_space<hbm>> -> memref<1x125x40xi32, #tpu.memory_space<hbm>>
      %dma_wait3A_93 = tpu.memref_squeeze %dma_wait3A_92 : memref<1x125x40xi32, #tpu.memory_space<hbm>> -> memref<125x40xi32, #tpu.memory_space<hbm>>
      %dma_wait3A_94 = arith.constant 0 : i32
      %dma_wait3A_95 = arith.constant 0 : i32
      %dma_wait3A_96 = tpu.memref_slice %arg3[%add3A, %dma_wait3A_94, %dma_wait3A_95] : memref<32x125x40xi32, #tpu.memory_space<hbm>> -> memref<1x125x40xi32, #tpu.memory_space<hbm>>
      %dma_wait3A_97 = tpu.memref_squeeze %dma_wait3A_96 : memref<1x125x40xi32, #tpu.memory_space<hbm>> -> memref<125x40xi32, #tpu.memory_space<hbm>>
      tpu.wait_dma2 semaphore(%run_scoped3A : memref<!tpu.dma_semaphore, #tpu.memory_space<semaphore_mem>>) src(%dma_wait3A_97 : memref<125x40xi32, #tpu.memory_space<hbm>>) dst(%arg6 : memref<125x40xi32, #tpu.memory_space<vmem>>)
      tpu.yield
    }) : () -> ()
    "tpu.region"() ({
      %run_scoped3A = tpu.sem_alloc : memref<!tpu.dma_semaphore, #tpu.memory_space<semaphore_mem>>
      %dma_start3A_82 = arith.constant 0 : i32
      %dma_start3A_83 = arith.constant 0 : i32
      %dma_start3A_84 = tpu.memref_slice %arg4[%add3A, %dma_start3A_82, %dma_start3A_83] : memref<32x125x40xi32, #tpu.memory_space<hbm>> -> memref<1x125x40xi32, #tpu.memory_space<hbm>>
      %dma_start3A_85 = tpu.memref_squeeze %dma_start3A_84 : memref<1x125x40xi32, #tpu.memory_space<hbm>> -> memref<125x40xi32, #tpu.memory_space<hbm>>
      %dma_start3A_86 = arith.constant 0 : i32
      %dma_start3A_87 = arith.constant 0 : i32
      %dma_start3A_88 = tpu.memref_slice %arg4[%add3A, %dma_start3A_86, %dma_start3A_87] : memref<32x125x40xi32, #tpu.memory_space<hbm>> -> memref<1x125x40xi32, #tpu.memory_space<hbm>>
      %dma_start3A_89 = tpu.memref_squeeze %dma_start3A_88 : memref<1x125x40xi32, #tpu.memory_space<hbm>> -> memref<125x40xi32, #tpu.memory_space<hbm>>
      tpu.enqueue_dma source(%dma_start3A_89 : memref<125x40xi32, #tpu.memory_space<hbm>>) target(%arg7 : memref<125x40xi32, #tpu.memory_space<vmem>>) target_semaphore(%run_scoped3A : memref<!tpu.dma_semaphore, #tpu.memory_space<semaphore_mem>>)
      %dma_wait3A_90 = arith.constant 0 : i32
      %dma_wait3A_91 = arith.constant 0 : i32
      %dma_wait3A_92 = tpu.memref_slice %arg4[%add3A, %dma_wait3A_90, %dma_wait3A_91] : memref<32x125x40xi32, #tpu.memory_space<hbm>> -> memref<1x125x40xi32, #tpu.memory_space<hbm>>
      %dma_wait3A_93 = tpu.memref_squeeze %dma_wait3A_92 : memref<1x125x40xi32, #tpu.memory_space<hbm>> -> memref<125x40xi32, #tpu.memory_space<hbm>>
      %dma_wait3A_94 = arith.constant 0 : i32
      %dma_wait3A_95 = arith.constant 0 : i32
      %dma_wait3A_96 = tpu.memref_slice %arg4[%add3A, %dma_wait3A_94, %dma_wait3A_95] : memref<32x125x40xi32, #tpu.memory_space<hbm>> -> memref<1x125x40xi32, #tpu.memory_space<hbm>>
      %dma_wait3A_97 = tpu.memref_squeeze %dma_wait3A_96 : memref<1x125x40xi32, #tpu.memory_space<hbm>> -> memref<125x40xi32, #tpu.memory_space<hbm>>
      tpu.wait_dma2 semaphore(%run_scoped3A : memref<!tpu.dma_semaphore, #tpu.memory_space<semaphore_mem>>) src(%dma_wait3A_97 : memref<125x40xi32, #tpu.memory_space<hbm>>) dst(%arg7 : memref<125x40xi32, #tpu.memory_space<vmem>>)
      tpu.yield
    }) : () -> ()
    %dma_start3A = arith.constant 0 : i32
    %dma_start3A_3 = arith.constant 0 : i32
    %dma_start3A_4 = tpu.memref_slice %arg6[%dma_start3A, %dma_start3A_3] : memref<125x40xi32, #tpu.memory_space<vmem>> -> memref<1x40xi32, #tpu.memory_space<vmem>>
    %dma_start3A_5 = tpu.memref_squeeze %dma_start3A_4 : memref<1x40xi32, #tpu.memory_space<vmem>> -> memref<40xi32, #tpu.memory_space<vmem>>
    %dma_start3A_6 = arith.constant 0 : i32
    %dma_start3A_7 = arith.constant 0 : i32
    %dma_start3A_8 = tpu.memref_slice %arg2[%dma_start3A_6, %dma_start3A_7] : memref<10000x128xf32, #tpu.memory_space<hbm>> -> memref<10000x128xf32, #tpu.memory_space<hbm>>
    tpu.enqueue_indirect_dma source(%dma_start3A_8 : memref<10000x128xf32, #tpu.memory_space<hbm>>) target(%arg8 : memref<40x128xf32, #tpu.memory_space<vmem>>) offsets(%dma_start3A_5 : memref<40xi32, #tpu.memory_space<vmem>>) semaphore(%arg14 : memref<!tpu.dma_semaphore, #tpu.memory_space<semaphore_mem>>)
    %dma_start3A_9 = arith.constant 0 : i32
    %dma_start3A_10 = arith.constant 0 : i32
    %dma_start3A_11 = tpu.memref_slice %arg7[%dma_start3A_9, %dma_start3A_10] : memref<125x40xi32, #tpu.memory_space<vmem>> -> memref<1x40xi32, #tpu.memory_space<vmem>>
    %dma_start3A_12 = tpu.memref_squeeze %dma_start3A_11 : memref<1x40xi32, #tpu.memory_space<vmem>> -> memref<40xi32, #tpu.memory_space<vmem>>
    %dma_start3A_13 = arith.constant 0 : i32
    %dma_start3A_14 = arith.constant 0 : i32
    %dma_start3A_15 = tpu.memref_slice %arg2[%dma_start3A_13, %dma_start3A_14] : memref<10000x128xf32, #tpu.memory_space<hbm>> -> memref<10000x128xf32, #tpu.memory_space<hbm>>
    tpu.enqueue_indirect_dma source(%dma_start3A_15 : memref<10000x128xf32, #tpu.memory_space<hbm>>) target(%arg10 : memref<40x128xf32, #tpu.memory_space<vmem>>) offsets(%dma_start3A_12 : memref<40xi32, #tpu.memory_space<vmem>>) semaphore(%arg16 : memref<!tpu.dma_semaphore, #tpu.memory_space<semaphore_mem>>)
    %dma_start3A_16 = arith.constant 1 : i32
    %dma_start3A_17 = arith.constant 0 : i32
    %dma_start3A_18 = tpu.memref_slice %arg6[%dma_start3A_16, %dma_start3A_17] : memref<125x40xi32, #tpu.memory_space<vmem>> -> memref<1x40xi32, #tpu.memory_space<vmem>>
    %dma_start3A_19 = tpu.memref_squeeze %dma_start3A_18 : memref<1x40xi32, #tpu.memory_space<vmem>> -> memref<40xi32, #tpu.memory_space<vmem>>
    %dma_start3A_20 = arith.constant 0 : i32
    %dma_start3A_21 = arith.constant 0 : i32
    %dma_start3A_22 = tpu.memref_slice %arg2[%dma_start3A_20, %dma_start3A_21] : memref<10000x128xf32, #tpu.memory_space<hbm>> -> memref<10000x128xf32, #tpu.memory_space<hbm>>
    tpu.enqueue_indirect_dma source(%dma_start3A_22 : memref<10000x128xf32, #tpu.memory_space<hbm>>) target(%arg9 : memref<40x128xf32, #tpu.memory_space<vmem>>) offsets(%dma_start3A_19 : memref<40xi32, #tpu.memory_space<vmem>>) semaphore(%arg15 : memref<!tpu.dma_semaphore, #tpu.memory_space<semaphore_mem>>)
    %dma_start3A_23 = arith.constant 1 : i32
    %dma_start3A_24 = arith.constant 0 : i32
    %dma_start3A_25 = tpu.memref_slice %arg7[%dma_start3A_23, %dma_start3A_24] : memref<125x40xi32, #tpu.memory_space<vmem>> -> memref<1x40xi32, #tpu.memory_space<vmem>>
    %dma_start3A_26 = tpu.memref_squeeze %dma_start3A_25 : memref<1x40xi32, #tpu.memory_space<vmem>> -> memref<40xi32, #tpu.memory_space<vmem>>
    %dma_start3A_27 = arith.constant 0 : i32
    %dma_start3A_28 = arith.constant 0 : i32
    %dma_start3A_29 = tpu.memref_slice %arg2[%dma_start3A_27, %dma_start3A_28] : memref<10000x128xf32, #tpu.memory_space<hbm>> -> memref<10000x128xf32, #tpu.memory_space<hbm>>
    tpu.enqueue_indirect_dma source(%dma_start3A_29 : memref<10000x128xf32, #tpu.memory_space<hbm>>) target(%arg11 : memref<40x128xf32, #tpu.memory_space<vmem>>) offsets(%dma_start3A_26 : memref<40xi32, #tpu.memory_space<vmem>>) semaphore(%arg17 : memref<!tpu.dma_semaphore, #tpu.memory_space<semaphore_mem>>)
    %scan3A = arith.constant 0 : i32
    %scan3A_30 = arith.constant 0 : i32
    %scan3A_31 = arith.constant 62 : i32
    %scan3A_32 = arith.addi %scan3A_30, %scan3A_31 : i32
    %scan3A_33 = arith.constant 1 : i32
    %scan3A_34 = scf.for %scan3A_82 = %scan3A_30 to %scan3A_32 step %scan3A_33 iter_args(%scan3A_83 = %scan3A) -> (i32)  : i32 {
      %mul3A_84 = arith.constant 2 : i32
      %mul3A_85 = arith.muli %scan3A_82, %mul3A_84 : i32
      %add3A_86 = arith.constant 0 : i32
      %add3A_87 = arith.addi %mul3A_85, %add3A_86 : i32
      %dma_wait3A_88 = arith.constant 0 : i32
      %dma_wait3A_89 = arith.constant 0 : i32
      %dma_wait3A_90 = tpu.memref_slice %arg6[%dma_wait3A_88, %dma_wait3A_89] : memref<125x40xi32, #tpu.memory_space<vmem>> -> memref<1x40xi32, #tpu.memory_space<vmem>>
      %dma_wait3A_91 = tpu.memref_squeeze %dma_wait3A_90 : memref<1x40xi32, #tpu.memory_space<vmem>> -> memref<40xi32, #tpu.memory_space<vmem>>
      %dma_wait3A_92 = arith.constant 0 : i32
      %dma_wait3A_93 = arith.constant 0 : i32
      %dma_wait3A_94 = tpu.memref_slice %arg2[%dma_wait3A_92, %dma_wait3A_93] : memref<10000x128xf32, #tpu.memory_space<hbm>> -> memref<10000x128xf32, #tpu.memory_space<hbm>>
      tpu.wait_indirect_dma semaphore(%arg14 : memref<!tpu.dma_semaphore, #tpu.memory_space<semaphore_mem>>) src(%dma_wait3A_94 : memref<10000x128xf32, #tpu.memory_space<hbm>>) dst(%arg8 : memref<40x128xf32, #tpu.memory_space<vmem>>)
      %dma_wait3A_95 = arith.constant 0 : i32
      %dma_wait3A_96 = arith.constant 0 : i32
      %dma_wait3A_97 = tpu.memref_slice %arg7[%dma_wait3A_95, %dma_wait3A_96] : memref<125x40xi32, #tpu.memory_space<vmem>> -> memref<1x40xi32, #tpu.memory_space<vmem>>
      %dma_wait3A_98 = tpu.memref_squeeze %dma_wait3A_97 : memref<1x40xi32, #tpu.memory_space<vmem>> -> memref<40xi32, #tpu.memory_space<vmem>>
      %dma_wait3A_99 = arith.constant 0 : i32
      %dma_wait3A_100 = arith.constant 0 : i32
      %dma_wait3A_101 = tpu.memref_slice %arg2[%dma_wait3A_99, %dma_wait3A_100] : memref<10000x128xf32, #tpu.memory_space<hbm>> -> memref<10000x128xf32, #tpu.memory_space<hbm>>
      tpu.wait_indirect_dma semaphore(%arg16 : memref<!tpu.dma_semaphore, #tpu.memory_space<semaphore_mem>>) src(%dma_wait3A_101 : memref<10000x128xf32, #tpu.memory_space<hbm>>) dst(%arg10 : memref<40x128xf32, #tpu.memory_space<vmem>>)
      %gt3A = arith.constant 0 : i32
      %gt3A_102 = arith.cmpi sgt, %scan3A_82, %gt3A : i32
      %convert_element_type3A = arith.extui %gt3A_102 : i1 to i32
      %cond3A = arith.constant 0 : i32
      %cond3A_103 = arith.cmpi ne, %convert_element_type3A, %cond3A : i32
      scf.if %cond3A_103 {
        %dma_wait3A_169 = arith.constant 0 : i32
        %dma_wait3A_170 = arith.constant 0 : i32
        %dma_wait3A_171 = tpu.memref_slice %arg5[%dma_wait3A_169, %dma_wait3A_170] : memref<160000x128xf32, #tpu.memory_space<hbm>> -> memref<40x128xf32, #tpu.memory_space<hbm>>
        %dma_wait3A_172 = arith.constant 0 : i32
        %dma_wait3A_173 = arith.constant 0 : i32
        %dma_wait3A_174 = tpu.memref_slice %arg5[%dma_wait3A_172, %dma_wait3A_173] : memref<160000x128xf32, #tpu.memory_space<hbm>> -> memref<40x128xf32, #tpu.memory_space<hbm>>
        tpu.wait_dma2 semaphore(%arg18 : memref<!tpu.dma_semaphore, #tpu.memory_space<semaphore_mem>>) src(%arg12 : memref<40x128xf32, #tpu.memory_space<vmem>>) dst(%dma_wait3A_174 : memref<40x128xf32, #tpu.memory_space<hbm>>)
      } else {
      }
      %scan3A_104 = arith.constant 0 : i32
      %scan3A_105 = arith.constant 0 : i32
      %scan3A_106 = arith.constant 40 : i32
      %scan3A_107 = arith.addi %scan3A_105, %scan3A_106 : i32
      %scan3A_108 = arith.constant 1 : i32
      %scan3A_109 = scf.for %scan3A_169 = %scan3A_105 to %scan3A_107 step %scan3A_108 iter_args(%scan3A_170 = %scan3A_104) -> (i32)  : i32 {
        %get3A = arith.index_cast %scan3A_169 : i32 to index
        %get3A_171 = arith.constant 0 : index
        %get3A_172 = tpu.vector_load %arg8[%get3A, %get3A_171] {strides = array<i32>} : memref<40x128xf32, #tpu.memory_space<vmem>>, vector<1x16xf32>,
        %get3A_173 = vector.shape_cast %get3A_172 : vector<1x16xf32> to vector<16xf32>
        %get3A_174 = arith.index_cast %scan3A_169 : i32 to index
        %get3A_175 = arith.constant 0 : index
        %get3A_176 = tpu.vector_load %arg10[%get3A_174, %get3A_175] {strides = array<i32>} : memref<40x128xf32, #tpu.memory_space<vmem>>, vector<1x16xf32>,
        %get3A_177 = vector.shape_cast %get3A_176 : vector<1x16xf32> to vector<16xf32>
        %swap3A = arith.index_cast %scan3A_169 : i32 to index
        %swap3A_178 = arith.constant 0 : index
        %swap3A_179 = tpu.vector_load %arg12[%swap3A, %swap3A_178] {strides = array<i32>} : memref<40x128xf32, #tpu.memory_space<vmem>>, vector<1x16xf32>,
        %swap3A_180 = vector.shape_cast %swap3A_179 : vector<1x16xf32> to vector<16xf32>
        %swap3A_181 = vector.shape_cast %get3A_173 : vector<16xf32> to vector<1x16xf32>
        tpu.vector_store %arg12[%swap3A, %swap3A_178], %swap3A_181 {strides = array<i32>} : memref<40x128xf32, #tpu.memory_space<vmem>>, vector<1x16xf32>,
        %sub3A = arith.subf %get3A_177, %get3A_173 : vector<16xf32>
        %swap3A_182 = arith.index_cast %scan3A_169 : i32 to index
        %swap3A_183 = arith.constant 64 : index
        %swap3A_184 = tpu.vector_load %arg12[%swap3A_182, %swap3A_183] {strides = array<i32>} : memref<40x128xf32, #tpu.memory_space<vmem>>, vector<1x16xf32>,
        %swap3A_185 = vector.shape_cast %swap3A_184 : vector<1x16xf32> to vector<16xf32>
        %swap3A_186 = vector.shape_cast %sub3A : vector<16xf32> to vector<1x16xf32>
        tpu.vector_store %arg12[%swap3A_182, %swap3A_183], %swap3A_186 {strides = array<i32>} : memref<40x128xf32, #tpu.memory_space<vmem>>, vector<1x16xf32>,
        %get3A_187 = arith.index_cast %scan3A_169 : i32 to index
        %get3A_188 = arith.constant 16 : index
        %get3A_189 = tpu.vector_load %arg8[%get3A_187, %get3A_188] {strides = array<i32>} : memref<40x128xf32, #tpu.memory_space<vmem>>, vector<1x16xf32>,
        %get3A_190 = vector.shape_cast %get3A_189 : vector<1x16xf32> to vector<16xf32>
        %get3A_191 = arith.index_cast %scan3A_169 : i32 to index
        %get3A_192 = arith.constant 16 : index
        %get3A_193 = tpu.vector_load %arg10[%get3A_191, %get3A_192] {strides = array<i32>} : memref<40x128xf32, #tpu.memory_space<vmem>>, vector<1x16xf32>,
        %get3A_194 = vector.shape_cast %get3A_193 : vector<1x16xf32> to vector<16xf32>
        %swap3A_195 = arith.index_cast %scan3A_169 : i32 to index
        %swap3A_196 = arith.constant 16 : index
        %swap3A_197 = tpu.vector_load %arg12[%swap3A_195, %swap3A_196] {strides = array<i32>} : memref<40x128xf32, #tpu.memory_space<vmem>>, vector<1x16xf32>,
        %swap3A_198 = vector.shape_cast %swap3A_197 : vector<1x16xf32> to vector<16xf32>
        %swap3A_199 = vector.shape_cast %get3A_190 : vector<16xf32> to vector<1x16xf32>
        tpu.vector_store %arg12[%swap3A_195, %swap3A_196], %swap3A_199 {strides = array<i32>} : memref<40x128xf32, #tpu.memory_space<vmem>>, vector<1x16xf32>,
        %sub3A_200 = arith.subf %get3A_194, %get3A_190 : vector<16xf32>
        %swap3A_201 = arith.index_cast %scan3A_169 : i32 to index
        %swap3A_202 = arith.constant 80 : index
        %swap3A_203 = tpu.vector_load %arg12[%swap3A_201, %swap3A_202] {strides = array<i32>} : memref<40x128xf32, #tpu.memory_space<vmem>>, vector<1x16xf32>,
        %swap3A_204 = vector.shape_cast %swap3A_203 : vector<1x16xf32> to vector<16xf32>
        %swap3A_205 = vector.shape_cast %sub3A_200 : vector<16xf32> to vector<1x16xf32>
        tpu.vector_store %arg12[%swap3A_201, %swap3A_202], %swap3A_205 {strides = array<i32>} : memref<40x128xf32, #tpu.memory_space<vmem>>, vector<1x16xf32>,
        %get3A_206 = arith.index_cast %scan3A_169 : i32 to index
        %get3A_207 = arith.constant 32 : index
        %get3A_208 = tpu.vector_load %arg8[%get3A_206, %get3A_207] {strides = array<i32>} : memref<40x128xf32, #tpu.memory_space<vmem>>, vector<1x16xf32>,
        %get3A_209 = vector.shape_cast %get3A_208 : vector<1x16xf32> to vector<16xf32>
        %get3A_210 = arith.index_cast %scan3A_169 : i32 to index
        %get3A_211 = arith.constant 32 : index
        %get3A_212 = tpu.vector_load %arg10[%get3A_210, %get3A_211] {strides = array<i32>} : memref<40x128xf32, #tpu.memory_space<vmem>>, vector<1x16xf32>,
        %get3A_213 = vector.shape_cast %get3A_212 : vector<1x16xf32> to vector<16xf32>
        %swap3A_214 = arith.index_cast %scan3A_169 : i32 to index
        %swap3A_215 = arith.constant 32 : index
        %swap3A_216 = tpu.vector_load %arg12[%swap3A_214, %swap3A_215] {strides = array<i32>} : memref<40x128xf32, #tpu.memory_space<vmem>>, vector<1x16xf32>,
        %swap3A_217 = vector.shape_cast %swap3A_216 : vector<1x16xf32> to vector<16xf32>
        %swap3A_218 = vector.shape_cast %get3A_209 : vector<16xf32> to vector<1x16xf32>
        tpu.vector_store %arg12[%swap3A_214, %swap3A_215], %swap3A_218 {strides = array<i32>} : memref<40x128xf32, #tpu.memory_space<vmem>>, vector<1x16xf32>,
        %sub3A_219 = arith.subf %get3A_213, %get3A_209 : vector<16xf32>
        %swap3A_220 = arith.index_cast %scan3A_169 : i32 to index
        %swap3A_221 = arith.constant 96 : index
        %swap3A_222 = tpu.vector_load %arg12[%swap3A_220, %swap3A_221] {strides = array<i32>} : memref<40x128xf32, #tpu.memory_space<vmem>>, vector<1x16xf32>,
        %swap3A_223 = vector.shape_cast %swap3A_222 : vector<1x16xf32> to vector<16xf32>
        %swap3A_224 = vector.shape_cast %sub3A_219 : vector<16xf32> to vector<1x16xf32>
        tpu.vector_store %arg12[%swap3A_220, %swap3A_221], %swap3A_224 {strides = array<i32>} : memref<40x128xf32, #tpu.memory_space<vmem>>, vector<1x16xf32>,
        %get3A_225 = arith.index_cast %scan3A_169 : i32 to index
        %get3A_226 = arith.constant 48 : index
        %get3A_227 = tpu.vector_load %arg8[%get3A_225, %get3A_226] {strides = array<i32>} : memref<40x128xf32, #tpu.memory_space<vmem>>, vector<1x16xf32>,
        %get3A_228 = vector.shape_cast %get3A_227 : vector<1x16xf32> to vector<16xf32>
        %get3A_229 = arith.index_cast %scan3A_169 : i32 to index
        %get3A_230 = arith.constant 48 : index
        %get3A_231 = tpu.vector_load %arg10[%get3A_229, %get3A_230] {strides = array<i32>} : memref<40x128xf32, #tpu.memory_space<vmem>>, vector<1x16xf32>,
        %get3A_232 = vector.shape_cast %get3A_231 : vector<1x16xf32> to vector<16xf32>
        %swap3A_233 = arith.index_cast %scan3A_169 : i32 to index
        %swap3A_234 = arith.constant 48 : index
        %swap3A_235 = tpu.vector_load %arg12[%swap3A_233, %swap3A_234] {strides = array<i32>} : memref<40x128xf32, #tpu.memory_space<vmem>>, vector<1x16xf32>,
        %swap3A_236 = vector.shape_cast %swap3A_235 : vector<1x16xf32> to vector<16xf32>
        %swap3A_237 = vector.shape_cast %get3A_228 : vector<16xf32> to vector<1x16xf32>
        tpu.vector_store %arg12[%swap3A_233, %swap3A_234], %swap3A_237 {strides = array<i32>} : memref<40x128xf32, #tpu.memory_space<vmem>>, vector<1x16xf32>,
        %sub3A_238 = arith.subf %get3A_232, %get3A_228 : vector<16xf32>
        %swap3A_239 = arith.index_cast %scan3A_169 : i32 to index
        %swap3A_240 = arith.constant 112 : index
        %swap3A_241 = tpu.vector_load %arg12[%swap3A_239, %swap3A_240] {strides = array<i32>} : memref<40x128xf32, #tpu.memory_space<vmem>>, vector<1x16xf32>,
        %swap3A_242 = vector.shape_cast %swap3A_241 : vector<1x16xf32> to vector<16xf32>
        %swap3A_243 = vector.shape_cast %sub3A_238 : vector<16xf32> to vector<1x16xf32>
        tpu.vector_store %arg12[%swap3A_239, %swap3A_240], %swap3A_243 {strides = array<i32>} : memref<40x128xf32, #tpu.memory_space<vmem>>, vector<1x16xf32>,
        %scan3A_244 = arith.constant 0 : i32
        scf.yield %scan3A_244 : i32
      }
      %scan3A_110 = arith.constant 40 : i32
      %add3A_111 = arith.addi %mul3A_2, %add3A_87 : i32
      %mul3A_112 = arith.constant 40 : i32
      %mul3A_113 = arith.muli %add3A_111, %mul3A_112 : i32
      %dma_start3A_114 = arith.constant 0 : i32
      %dma_start3A_115 = tpu.memref_slice %arg5[%mul3A_113, %dma_start3A_114] : memref<160000x128xf32, #tpu.memory_space<hbm>> -> memref<40x128xf32, #tpu.memory_space<hbm>>
      %dma_start3A_116 = arith.constant 0 : i32
      %dma_start3A_117 = tpu.memref_slice %arg5[%mul3A_113, %dma_start3A_116] : memref<160000x128xf32, #tpu.memory_space<hbm>> -> memref<40x128xf32, #tpu.memory_space<hbm>>
      tpu.enqueue_dma source(%arg12 : memref<40x128xf32, #tpu.memory_space<vmem>>) target(%dma_start3A_117 : memref<40x128xf32, #tpu.memory_space<hbm>>) target_semaphore(%arg18 : memref<!tpu.dma_semaphore, #tpu.memory_space<semaphore_mem>>)
      %add3A_118 = arith.constant 2 : i32
      %add3A_119 = arith.addi %add3A_87, %add3A_118 : i32
      %lt3A = arith.constant 125 : i32
      %lt3A_120 = arith.cmpi slt, %add3A_119, %lt3A : i32
      %convert_element_type3A_121 = arith.extui %lt3A_120 : i1 to i32
      %cond3A_122 = arith.constant 0 : i32
      %cond3A_123 = arith.cmpi ne, %convert_element_type3A_121, %cond3A_122 : i32
      scf.if %cond3A_123 {
        %add3A_169 = arith.constant 2 : i32
        %add3A_170 = arith.addi %add3A_87, %add3A_169 : i32
        %dma_start3A_171 = arith.constant 0 : i32
        %dma_start3A_172 = tpu.memref_slice %arg6[%add3A_170, %dma_start3A_171] : memref<125x40xi32, #tpu.memory_space<vmem>> -> memref<1x40xi32, #tpu.memory_space<vmem>>
        %dma_start3A_173 = tpu.memref_squeeze %dma_start3A_172 : memref<1x40xi32, #tpu.memory_space<vmem>> -> memref<40xi32, #tpu.memory_space<vmem>>
        %dma_start3A_174 = arith.constant 0 : i32
        %dma_start3A_175 = arith.constant 0 : i32
        %dma_start3A_176 = tpu.memref_slice %arg2[%dma_start3A_174, %dma_start3A_175] : memref<10000x128xf32, #tpu.memory_space<hbm>> -> memref<10000x128xf32, #tpu.memory_space<hbm>>
        tpu.enqueue_indirect_dma source(%dma_start3A_176 : memref<10000x128xf32, #tpu.memory_space<hbm>>) target(%arg8 : memref<40x128xf32, #tpu.memory_space<vmem>>) offsets(%dma_start3A_173 : memref<40xi32, #tpu.memory_space<vmem>>) semaphore(%arg14 : memref<!tpu.dma_semaphore, #tpu.memory_space<semaphore_mem>>)
        %dma_start3A_177 = arith.constant 0 : i32
        %dma_start3A_178 = tpu.memref_slice %arg7[%add3A_170, %dma_start3A_177] : memref<125x40xi32, #tpu.memory_space<vmem>> -> memref<1x40xi32, #tpu.memory_space<vmem>>
        %dma_start3A_179 = tpu.memref_squeeze %dma_start3A_178 : memref<1x40xi32, #tpu.memory_space<vmem>> -> memref<40xi32, #tpu.memory_space<vmem>>
        %dma_start3A_180 = arith.constant 0 : i32
        %dma_start3A_181 = arith.constant 0 : i32
        %dma_start3A_182 = tpu.memref_slice %arg2[%dma_start3A_180, %dma_start3A_181] : memref<10000x128xf32, #tpu.memory_space<hbm>> -> memref<10000x128xf32, #tpu.memory_space<hbm>>
        tpu.enqueue_indirect_dma source(%dma_start3A_182 : memref<10000x128xf32, #tpu.memory_space<hbm>>) target(%arg10 : memref<40x128xf32, #tpu.memory_space<vmem>>) offsets(%dma_start3A_179 : memref<40xi32, #tpu.memory_space<vmem>>) semaphore(%arg16 : memref<!tpu.dma_semaphore, #tpu.memory_space<semaphore_mem>>)
      } else {
      }
      %mul3A_124 = arith.constant 2 : i32
      %mul3A_125 = arith.muli %scan3A_82, %mul3A_124 : i32
      %add3A_126 = arith.constant 1 : i32
      %add3A_127 = arith.addi %mul3A_125, %add3A_126 : i32
      %dma_wait3A_128 = arith.constant 0 : i32
      %dma_wait3A_129 = arith.constant 0 : i32
      %dma_wait3A_130 = tpu.memref_slice %arg6[%dma_wait3A_128, %dma_wait3A_129] : memref<125x40xi32, #tpu.memory_space<vmem>> -> memref<1x40xi32, #tpu.memory_space<vmem>>
      %dma_wait3A_131 = tpu.memref_squeeze %dma_wait3A_130 : memref<1x40xi32, #tpu.memory_space<vmem>> -> memref<40xi32, #tpu.memory_space<vmem>>
      %dma_wait3A_132 = arith.constant 0 : i32
      %dma_wait3A_133 = arith.constant 0 : i32
      %dma_wait3A_134 = tpu.memref_slice %arg2[%dma_wait3A_132, %dma_wait3A_133] : memref<10000x128xf32, #tpu.memory_space<hbm>> -> memref<10000x128xf32, #tpu.memory_space<hbm>>
      tpu.wait_indirect_dma semaphore(%arg15 : memref<!tpu.dma_semaphore, #tpu.memory_space<semaphore_mem>>) src(%dma_wait3A_134 : memref<10000x128xf32, #tpu.memory_space<hbm>>) dst(%arg9 : memref<40x128xf32, #tpu.memory_space<vmem>>)
      %dma_wait3A_135 = arith.constant 0 : i32
      %dma_wait3A_136 = arith.constant 0 : i32
      %dma_wait3A_137 = tpu.memref_slice %arg7[%dma_wait3A_135, %dma_wait3A_136] : memref<125x40xi32, #tpu.memory_space<vmem>> -> memref<1x40xi32, #tpu.memory_space<vmem>>
      %dma_wait3A_138 = tpu.memref_squeeze %dma_wait3A_137 : memref<1x40xi32, #tpu.memory_space<vmem>> -> memref<40xi32, #tpu.memory_space<vmem>>
      %dma_wait3A_139 = arith.constant 0 : i32
      %dma_wait3A_140 = arith.constant 0 : i32
      %dma_wait3A_141 = tpu.memref_slice %arg2[%dma_wait3A_139, %dma_wait3A_140] : memref<10000x128xf32, #tpu.memory_space<hbm>> -> memref<10000x128xf32, #tpu.memory_space<hbm>>
      tpu.wait_indirect_dma semaphore(%arg17 : memref<!tpu.dma_semaphore, #tpu.memory_space<semaphore_mem>>) src(%dma_wait3A_141 : memref<10000x128xf32, #tpu.memory_space<hbm>>) dst(%arg11 : memref<40x128xf32, #tpu.memory_space<vmem>>)
      %gt3A_142 = arith.constant 0 : i32
      %gt3A_143 = arith.cmpi sgt, %scan3A_82, %gt3A_142 : i32
      %convert_element_type3A_144 = arith.extui %gt3A_143 : i1 to i32
      %cond3A_145 = arith.constant 0 : i32
      %cond3A_146 = arith.cmpi ne, %convert_element_type3A_144, %cond3A_145 : i32
      scf.if %cond3A_146 {
        %dma_wait3A_169 = arith.constant 0 : i32
        %dma_wait3A_170 = arith.constant 0 : i32
        %dma_wait3A_171 = tpu.memref_slice %arg5[%dma_wait3A_169, %dma_wait3A_170] : memref<160000x128xf32, #tpu.memory_space<hbm>> -> memref<40x128xf32, #tpu.memory_space<hbm>>
        %dma_wait3A_172 = arith.constant 0 : i32
        %dma_wait3A_173 = arith.constant 0 : i32
        %dma_wait3A_174 = tpu.memref_slice %arg5[%dma_wait3A_172, %dma_wait3A_173] : memref<160000x128xf32, #tpu.memory_space<hbm>> -> memref<40x128xf32, #tpu.memory_space<hbm>>
        tpu.wait_dma2 semaphore(%arg19 : memref<!tpu.dma_semaphore, #tpu.memory_space<semaphore_mem>>) src(%arg13 : memref<40x128xf32, #tpu.memory_space<vmem>>) dst(%dma_wait3A_174 : memref<40x128xf32, #tpu.memory_space<hbm>>)
      } else {
      }
      %scan3A_147 = arith.constant 0 : i32
      %scan3A_148 = arith.constant 0 : i32
      %scan3A_149 = arith.constant 40 : i32
      %scan3A_150 = arith.addi %scan3A_148, %scan3A_149 : i32
      %scan3A_151 = arith.constant 1 : i32
      %scan3A_152 = scf.for %scan3A_169 = %scan3A_148 to %scan3A_150 step %scan3A_151 iter_args(%scan3A_170 = %scan3A_147) -> (i32)  : i32 {
        %get3A = arith.index_cast %scan3A_169 : i32 to index
        %get3A_171 = arith.constant 0 : index
        %get3A_172 = tpu.vector_load %arg9[%get3A, %get3A_171] {strides = array<i32>} : memref<40x128xf32, #tpu.memory_space<vmem>>, vector<1x16xf32>,
        %get3A_173 = vector.shape_cast %get3A_172 : vector<1x16xf32> to vector<16xf32>
        %get3A_174 = arith.index_cast %scan3A_169 : i32 to index
        %get3A_175 = arith.constant 0 : index
        %get3A_176 = tpu.vector_load %arg11[%get3A_174, %get3A_175] {strides = array<i32>} : memref<40x128xf32, #tpu.memory_space<vmem>>, vector<1x16xf32>,
        %get3A_177 = vector.shape_cast %get3A_176 : vector<1x16xf32> to vector<16xf32>
        %swap3A = arith.index_cast %scan3A_169 : i32 to index
        %swap3A_178 = arith.constant 0 : index
        %swap3A_179 = tpu.vector_load %arg13[%swap3A, %swap3A_178] {strides = array<i32>} : memref<40x128xf32, #tpu.memory_space<vmem>>, vector<1x16xf32>,
        %swap3A_180 = vector.shape_cast %swap3A_179 : vector<1x16xf32> to vector<16xf32>
        %swap3A_181 = vector.shape_cast %get3A_173 : vector<16xf32> to vector<1x16xf32>
        tpu.vector_store %arg13[%swap3A, %swap3A_178], %swap3A_181 {strides = array<i32>} : memref<40x128xf32, #tpu.memory_space<vmem>>, vector<1x16xf32>,
        %sub3A = arith.subf %get3A_177, %get3A_173 : vector<16xf32>
        %swap3A_182 = arith.index_cast %scan3A_169 : i32 to index
        %swap3A_183 = arith.constant 64 : index
        %swap3A_184 = tpu.vector_load %arg13[%swap3A_182, %swap3A_183] {strides = array<i32>} : memref<40x128xf32, #tpu.memory_space<vmem>>, vector<1x16xf32>,
        %swap3A_185 = vector.shape_cast %swap3A_184 : vector<1x16xf32> to vector<16xf32>
        %swap3A_186 = vector.shape_cast %sub3A : vector<16xf32> to vector<1x16xf32>
        tpu.vector_store %arg13[%swap3A_182, %swap3A_183], %swap3A_186 {strides = array<i32>} : memref<40x128xf32, #tpu.memory_space<vmem>>, vector<1x16xf32>,
        %get3A_187 = arith.index_cast %scan3A_169 : i32 to index
        %get3A_188 = arith.constant 16 : index
        %get3A_189 = tpu.vector_load %arg9[%get3A_187, %get3A_188] {strides = array<i32>} : memref<40x128xf32, #tpu.memory_space<vmem>>, vector<1x16xf32>,
        %get3A_190 = vector.shape_cast %get3A_189 : vector<1x16xf32> to vector<16xf32>
        %get3A_191 = arith.index_cast %scan3A_169 : i32 to index
        %get3A_192 = arith.constant 16 : index
        %get3A_193 = tpu.vector_load %arg11[%get3A_191, %get3A_192] {strides = array<i32>} : memref<40x128xf32, #tpu.memory_space<vmem>>, vector<1x16xf32>,
        %get3A_194 = vector.shape_cast %get3A_193 : vector<1x16xf32> to vector<16xf32>
        %swap3A_195 = arith.index_cast %scan3A_169 : i32 to index
        %swap3A_196 = arith.constant 16 : index
        %swap3A_197 = tpu.vector_load %arg13[%swap3A_195, %swap3A_196] {strides = array<i32>} : memref<40x128xf32, #tpu.memory_space<vmem>>, vector<1x16xf32>,
        %swap3A_198 = vector.shape_cast %swap3A_197 : vector<1x16xf32> to vector<16xf32>
        %swap3A_199 = vector.shape_cast %get3A_190 : vector<16xf32> to vector<1x16xf32>
        tpu.vector_store %arg13[%swap3A_195, %swap3A_196], %swap3A_199 {strides = array<i32>} : memref<40x128xf32, #tpu.memory_space<vmem>>, vector<1x16xf32>,
        %sub3A_200 = arith.subf %get3A_194, %get3A_190 : vector<16xf32>
        %swap3A_201 = arith.index_cast %scan3A_169 : i32 to index
        %swap3A_202 = arith.constant 80 : index
        %swap3A_203 = tpu.vector_load %arg13[%swap3A_201, %swap3A_202] {strides = array<i32>} : memref<40x128xf32, #tpu.memory_space<vmem>>, vector<1x16xf32>,
        %swap3A_204 = vector.shape_cast %swap3A_203 : vector<1x16xf32> to vector<16xf32>
        %swap3A_205 = vector.shape_cast %sub3A_200 : vector<16xf32> to vector<1x16xf32>
        tpu.vector_store %arg13[%swap3A_201, %swap3A_202], %swap3A_205 {strides = array<i32>} : memref<40x128xf32, #tpu.memory_space<vmem>>, vector<1x16xf32>,
        %get3A_206 = arith.index_cast %scan3A_169 : i32 to index
        %get3A_207 = arith.constant 32 : index
        %get3A_208 = tpu.vector_load %arg9[%get3A_206, %get3A_207] {strides = array<i32>} : memref<40x128xf32, #tpu.memory_space<vmem>>, vector<1x16xf32>,
        %get3A_209 = vector.shape_cast %get3A_208 : vector<1x16xf32> to vector<16xf32>
        %get3A_210 = arith.index_cast %scan3A_169 : i32 to index
        %get3A_211 = arith.constant 32 : index
        %get3A_212 = tpu.vector_load %arg11[%get3A_210, %get3A_211] {strides = array<i32>} : memref<40x128xf32, #tpu.memory_space<vmem>>, vector<1x16xf32>,
        %get3A_213 = vector.shape_cast %get3A_212 : vector<1x16xf32> to vector<16xf32>
        %swap3A_214 = arith.index_cast %scan3A_169 : i32 to index
        %swap3A_215 = arith.constant 32 : index
        %swap3A_216 = tpu.vector_load %arg13[%swap3A_214, %swap3A_215] {strides = array<i32>} : memref<40x128xf32, #tpu.memory_space<vmem>>, vector<1x16xf32>,
        %swap3A_217 = vector.shape_cast %swap3A_216 : vector<1x16xf32> to vector<16xf32>
        %swap3A_218 = vector.shape_cast %get3A_209 : vector<16xf32> to vector<1x16xf32>
        tpu.vector_store %arg13[%swap3A_214, %swap3A_215], %swap3A_218 {strides = array<i32>} : memref<40x128xf32, #tpu.memory_space<vmem>>, vector<1x16xf32>,
        %sub3A_219 = arith.subf %get3A_213, %get3A_209 : vector<16xf32>
        %swap3A_220 = arith.index_cast %scan3A_169 : i32 to index
        %swap3A_221 = arith.constant 96 : index
        %swap3A_222 = tpu.vector_load %arg13[%swap3A_220, %swap3A_221] {strides = array<i32>} : memref<40x128xf32, #tpu.memory_space<vmem>>, vector<1x16xf32>,
        %swap3A_223 = vector.shape_cast %swap3A_222 : vector<1x16xf32> to vector<16xf32>
        %swap3A_224 = vector.shape_cast %sub3A_219 : vector<16xf32> to vector<1x16xf32>
        tpu.vector_store %arg13[%swap3A_220, %swap3A_221], %swap3A_224 {strides = array<i32>} : memref<40x128xf32, #tpu.memory_space<vmem>>, vector<1x16xf32>,
        %get3A_225 = arith.index_cast %scan3A_169 : i32 to index
        %get3A_226 = arith.constant 48 : index
        %get3A_227 = tpu.vector_load %arg9[%get3A_225, %get3A_226] {strides = array<i32>} : memref<40x128xf32, #tpu.memory_space<vmem>>, vector<1x16xf32>,
        %get3A_228 = vector.shape_cast %get3A_227 : vector<1x16xf32> to vector<16xf32>
        %get3A_229 = arith.index_cast %scan3A_169 : i32 to index
        %get3A_230 = arith.constant 48 : index
        %get3A_231 = tpu.vector_load %arg11[%get3A_229, %get3A_230] {strides = array<i32>} : memref<40x128xf32, #tpu.memory_space<vmem>>, vector<1x16xf32>,
        %get3A_232 = vector.shape_cast %get3A_231 : vector<1x16xf32> to vector<16xf32>
        %swap3A_233 = arith.index_cast %scan3A_169 : i32 to index
        %swap3A_234 = arith.constant 48 : index
        %swap3A_235 = tpu.vector_load %arg13[%swap3A_233, %swap3A_234] {strides = array<i32>} : memref<40x128xf32, #tpu.memory_space<vmem>>, vector<1x16xf32>,
        %swap3A_236 = vector.shape_cast %swap3A_235 : vector<1x16xf32> to vector<16xf32>
        %swap3A_237 = vector.shape_cast %get3A_228 : vector<16xf32> to vector<1x16xf32>
        tpu.vector_store %arg13[%swap3A_233, %swap3A_234], %swap3A_237 {strides = array<i32>} : memref<40x128xf32, #tpu.memory_space<vmem>>, vector<1x16xf32>,
        %sub3A_238 = arith.subf %get3A_232, %get3A_228 : vector<16xf32>
        %swap3A_239 = arith.index_cast %scan3A_169 : i32 to index
        %swap3A_240 = arith.constant 112 : index
        %swap3A_241 = tpu.vector_load %arg13[%swap3A_239, %swap3A_240] {strides = array<i32>} : memref<40x128xf32, #tpu.memory_space<vmem>>, vector<1x16xf32>,
        %swap3A_242 = vector.shape_cast %swap3A_241 : vector<1x16xf32> to vector<16xf32>
        %swap3A_243 = vector.shape_cast %sub3A_238 : vector<16xf32> to vector<1x16xf32>
        tpu.vector_store %arg13[%swap3A_239, %swap3A_240], %swap3A_243 {strides = array<i32>} : memref<40x128xf32, #tpu.memory_space<vmem>>, vector<1x16xf32>,
        %scan3A_244 = arith.constant 0 : i32
        scf.yield %scan3A_244 : i32
      }
      %scan3A_153 = arith.constant 40 : i32
      %add3A_154 = arith.addi %mul3A_2, %add3A_127 : i32
      %mul3A_155 = arith.constant 40 : i32
      %mul3A_156 = arith.muli %add3A_154, %mul3A_155 : i32
      %dma_start3A_157 = arith.constant 0 : i32
      %dma_start3A_158 = tpu.memref_slice %arg5[%mul3A_156, %dma_start3A_157] : memref<160000x128xf32, #tpu.memory_space<hbm>> -> memref<40x128xf32, #tpu.memory_space<hbm>>
      %dma_start3A_159 = arith.constant 0 : i32
      %dma_start3A_160 = tpu.memref_slice %arg5[%mul3A_156, %dma_start3A_159] : memref<160000x128xf32, #tpu.memory_space<hbm>> -> memref<40x128xf32, #tpu.memory_space<hbm>>
      tpu.enqueue_dma source(%arg13 : memref<40x128xf32, #tpu.memory_space<vmem>>) target(%dma_start3A_160 : memref<40x128xf32, #tpu.memory_space<hbm>>) target_semaphore(%arg19 : memref<!tpu.dma_semaphore, #tpu.memory_space<semaphore_mem>>)
      %add3A_161 = arith.constant 2 : i32
      %add3A_162 = arith.addi %add3A_127, %add3A_161 : i32
      %lt3A_163 = arith.constant 125 : i32
      %lt3A_164 = arith.cmpi slt, %add3A_162, %lt3A_163 : i32
      %convert_element_type3A_165 = arith.extui %lt3A_164 : i1 to i32
      %cond3A_166 = arith.constant 0 : i32
      %cond3A_167 = arith.cmpi ne, %convert_element_type3A_165, %cond3A_166 : i32
      scf.if %cond3A_167 {
        %add3A_169 = arith.constant 2 : i32
        %add3A_170 = arith.addi %add3A_127, %add3A_169 : i32
        %dma_start3A_171 = arith.constant 0 : i32
        %dma_start3A_172 = tpu.memref_slice %arg6[%add3A_170, %dma_start3A_171] : memref<125x40xi32, #tpu.memory_space<vmem>> -> memref<1x40xi32, #tpu.memory_space<vmem>>
        %dma_start3A_173 = tpu.memref_squeeze %dma_start3A_172 : memref<1x40xi32, #tpu.memory_space<vmem>> -> memref<40xi32, #tpu.memory_space<vmem>>
        %dma_start3A_174 = arith.constant 0 : i32
        %dma_start3A_175 = arith.constant 0 : i32
        %dma_start3A_176 = tpu.memref_slice %arg2[%dma_start3A_174, %dma_start3A_175] : memref<10000x128xf32, #tpu.memory_space<hbm>> -> memref<10000x128xf32, #tpu.memory_space<hbm>>
        tpu.enqueue_indirect_dma source(%dma_start3A_176 : memref<10000x128xf32, #tpu.memory_space<hbm>>) target(%arg9 : memref<40x128xf32, #tpu.memory_space<vmem>>) offsets(%dma_start3A_173 : memref<40xi32, #tpu.memory_space<vmem>>) semaphore(%arg15 : memref<!tpu.dma_semaphore, #tpu.memory_space<semaphore_mem>>)
        %dma_start3A_177 = arith.constant 0 : i32
        %dma_start3A_178 = tpu.memref_slice %arg7[%add3A_170, %dma_start3A_177] : memref<125x40xi32, #tpu.memory_space<vmem>> -> memref<1x40xi32, #tpu.memory_space<vmem>>
        %dma_start3A_179 = tpu.memref_squeeze %dma_start3A_178 : memref<1x40xi32, #tpu.memory_space<vmem>> -> memref<40xi32, #tpu.memory_space<vmem>>
        %dma_start3A_180 = arith.constant 0 : i32
        %dma_start3A_181 = arith.constant 0 : i32
        %dma_start3A_182 = tpu.memref_slice %arg2[%dma_start3A_180, %dma_start3A_181] : memref<10000x128xf32, #tpu.memory_space<hbm>> -> memref<10000x128xf32, #tpu.memory_space<hbm>>
        tpu.enqueue_indirect_dma source(%dma_start3A_182 : memref<10000x128xf32, #tpu.memory_space<hbm>>) target(%arg11 : memref<40x128xf32, #tpu.memory_space<vmem>>) offsets(%dma_start3A_179 : memref<40xi32, #tpu.memory_space<vmem>>) semaphore(%arg17 : memref<!tpu.dma_semaphore, #tpu.memory_space<semaphore_mem>>)
      } else {
      }
      %scan3A_168 = arith.constant 0 : i32
      scf.yield %scan3A_168 : i32
    }
    %scan3A_35 = arith.constant 62 : i32
    %dma_wait3A = arith.constant 0 : i32
    %dma_wait3A_36 = arith.constant 0 : i32
    %dma_wait3A_37 = tpu.memref_slice %arg6[%dma_wait3A, %dma_wait3A_36] : memref<125x40xi32, #tpu.memory_space<vmem>> -> memref<1x40xi32, #tpu.memory_space<vmem>>
    %dma_wait3A_38 = tpu.memref_squeeze %dma_wait3A_37 : memref<1x40xi32, #tpu.memory_space<vmem>> -> memref<40xi32, #tpu.memory_space<vmem>>
    %dma_wait3A_39 = arith.constant 0 : i32
    %dma_wait3A_40 = arith.constant 0 : i32
    %dma_wait3A_41 = tpu.memref_slice %arg2[%dma_wait3A_39, %dma_wait3A_40] : memref<10000x128xf32, #tpu.memory_space<hbm>> -> memref<10000x128xf32, #tpu.memory_space<hbm>>
    tpu.wait_indirect_dma semaphore(%arg14 : memref<!tpu.dma_semaphore, #tpu.memory_space<semaphore_mem>>) src(%dma_wait3A_41 : memref<10000x128xf32, #tpu.memory_space<hbm>>) dst(%arg8 : memref<40x128xf32, #tpu.memory_space<vmem>>)
    %dma_wait3A_42 = arith.constant 0 : i32
    %dma_wait3A_43 = arith.constant 0 : i32
    %dma_wait3A_44 = tpu.memref_slice %arg7[%dma_wait3A_42, %dma_wait3A_43] : memref<125x40xi32, #tpu.memory_space<vmem>> -> memref<1x40xi32, #tpu.memory_space<vmem>>
    %dma_wait3A_45 = tpu.memref_squeeze %dma_wait3A_44 : memref<1x40xi32, #tpu.memory_space<vmem>> -> memref<40xi32, #tpu.memory_space<vmem>>
    %dma_wait3A_46 = arith.constant 0 : i32
    %dma_wait3A_47 = arith.constant 0 : i32
    %dma_wait3A_48 = tpu.memref_slice %arg2[%dma_wait3A_46, %dma_wait3A_47] : memref<10000x128xf32, #tpu.memory_space<hbm>> -> memref<10000x128xf32, #tpu.memory_space<hbm>>
    tpu.wait_indirect_dma semaphore(%arg16 : memref<!tpu.dma_semaphore, #tpu.memory_space<semaphore_mem>>) src(%dma_wait3A_48 : memref<10000x128xf32, #tpu.memory_space<hbm>>) dst(%arg10 : memref<40x128xf32, #tpu.memory_space<vmem>>)
    %dma_wait3A_49 = arith.constant 0 : i32
    %dma_wait3A_50 = arith.constant 0 : i32
    %dma_wait3A_51 = tpu.memref_slice %arg5[%dma_wait3A_49, %dma_wait3A_50] : memref<160000x128xf32, #tpu.memory_space<hbm>> -> memref<40x128xf32, #tpu.memory_space<hbm>>
    %dma_wait3A_52 = arith.constant 0 : i32
    %dma_wait3A_53 = arith.constant 0 : i32
    %dma_wait3A_54 = tpu.memref_slice %arg5[%dma_wait3A_52, %dma_wait3A_53] : memref<160000x128xf32, #tpu.memory_space<hbm>> -> memref<40x128xf32, #tpu.memory_space<hbm>>
    tpu.wait_dma2 semaphore(%arg18 : memref<!tpu.dma_semaphore, #tpu.memory_space<semaphore_mem>>) src(%arg12 : memref<40x128xf32, #tpu.memory_space<vmem>>) dst(%dma_wait3A_54 : memref<40x128xf32, #tpu.memory_space<hbm>>)
    %scan3A_55 = arith.constant 0 : i32
    %scan3A_56 = arith.constant 0 : i32
    %scan3A_57 = arith.constant 40 : i32
    %scan3A_58 = arith.addi %scan3A_56, %scan3A_57 : i32
    %scan3A_59 = arith.constant 1 : i32
    %scan3A_60 = scf.for %scan3A_82 = %scan3A_56 to %scan3A_58 step %scan3A_59 iter_args(%scan3A_83 = %scan3A_55) -> (i32)  : i32 {
      %get3A = arith.index_cast %scan3A_82 : i32 to index
      %get3A_84 = arith.constant 0 : index
      %get3A_85 = tpu.vector_load %arg8[%get3A, %get3A_84] {strides = array<i32>} : memref<40x128xf32, #tpu.memory_space<vmem>>, vector<1x16xf32>,
      %get3A_86 = vector.shape_cast %get3A_85 : vector<1x16xf32> to vector<16xf32>
      %get3A_87 = arith.index_cast %scan3A_82 : i32 to index
      %get3A_88 = arith.constant 0 : index
      %get3A_89 = tpu.vector_load %arg10[%get3A_87, %get3A_88] {strides = array<i32>} : memref<40x128xf32, #tpu.memory_space<vmem>>, vector<1x16xf32>,
      %get3A_90 = vector.shape_cast %get3A_89 : vector<1x16xf32> to vector<16xf32>
      %swap3A = arith.index_cast %scan3A_82 : i32 to index
      %swap3A_91 = arith.constant 0 : index
      %swap3A_92 = tpu.vector_load %arg12[%swap3A, %swap3A_91] {strides = array<i32>} : memref<40x128xf32, #tpu.memory_space<vmem>>, vector<1x16xf32>,
      %swap3A_93 = vector.shape_cast %swap3A_92 : vector<1x16xf32> to vector<16xf32>
      %swap3A_94 = vector.shape_cast %get3A_86 : vector<16xf32> to vector<1x16xf32>
      tpu.vector_store %arg12[%swap3A, %swap3A_91], %swap3A_94 {strides = array<i32>} : memref<40x128xf32, #tpu.memory_space<vmem>>, vector<1x16xf32>,
      %sub3A = arith.subf %get3A_90, %get3A_86 : vector<16xf32>
      %swap3A_95 = arith.index_cast %scan3A_82 : i32 to index
      %swap3A_96 = arith.constant 64 : index
      %swap3A_97 = tpu.vector_load %arg12[%swap3A_95, %swap3A_96] {strides = array<i32>} : memref<40x128xf32, #tpu.memory_space<vmem>>, vector<1x16xf32>,
      %swap3A_98 = vector.shape_cast %swap3A_97 : vector<1x16xf32> to vector<16xf32>
      %swap3A_99 = vector.shape_cast %sub3A : vector<16xf32> to vector<1x16xf32>
      tpu.vector_store %arg12[%swap3A_95, %swap3A_96], %swap3A_99 {strides = array<i32>} : memref<40x128xf32, #tpu.memory_space<vmem>>, vector<1x16xf32>,
      %get3A_100 = arith.index_cast %scan3A_82 : i32 to index
      %get3A_101 = arith.constant 16 : index
      %get3A_102 = tpu.vector_load %arg8[%get3A_100, %get3A_101] {strides = array<i32>} : memref<40x128xf32, #tpu.memory_space<vmem>>, vector<1x16xf32>,
      %get3A_103 = vector.shape_cast %get3A_102 : vector<1x16xf32> to vector<16xf32>
      %get3A_104 = arith.index_cast %scan3A_82 : i32 to index
      %get3A_105 = arith.constant 16 : index
      %get3A_106 = tpu.vector_load %arg10[%get3A_104, %get3A_105] {strides = array<i32>} : memref<40x128xf32, #tpu.memory_space<vmem>>, vector<1x16xf32>,
      %get3A_107 = vector.shape_cast %get3A_106 : vector<1x16xf32> to vector<16xf32>
      %swap3A_108 = arith.index_cast %scan3A_82 : i32 to index
      %swap3A_109 = arith.constant 16 : index
      %swap3A_110 = tpu.vector_load %arg12[%swap3A_108, %swap3A_109] {strides = array<i32>} : memref<40x128xf32, #tpu.memory_space<vmem>>, vector<1x16xf32>,
      %swap3A_111 = vector.shape_cast %swap3A_110 : vector<1x16xf32> to vector<16xf32>
      %swap3A_112 = vector.shape_cast %get3A_103 : vector<16xf32> to vector<1x16xf32>
      tpu.vector_store %arg12[%swap3A_108, %swap3A_109], %swap3A_112 {strides = array<i32>} : memref<40x128xf32, #tpu.memory_space<vmem>>, vector<1x16xf32>,
      %sub3A_113 = arith.subf %get3A_107, %get3A_103 : vector<16xf32>
      %swap3A_114 = arith.index_cast %scan3A_82 : i32 to index
      %swap3A_115 = arith.constant 80 : index
      %swap3A_116 = tpu.vector_load %arg12[%swap3A_114, %swap3A_115] {strides = array<i32>} : memref<40x128xf32, #tpu.memory_space<vmem>>, vector<1x16xf32>,
      %swap3A_117 = vector.shape_cast %swap3A_116 : vector<1x16xf32> to vector<16xf32>
      %swap3A_118 = vector.shape_cast %sub3A_113 : vector<16xf32> to vector<1x16xf32>
      tpu.vector_store %arg12[%swap3A_114, %swap3A_115], %swap3A_118 {strides = array<i32>} : memref<40x128xf32, #tpu.memory_space<vmem>>, vector<1x16xf32>,
      %get3A_119 = arith.index_cast %scan3A_82 : i32 to index
      %get3A_120 = arith.constant 32 : index
      %get3A_121 = tpu.vector_load %arg8[%get3A_119, %get3A_120] {strides = array<i32>} : memref<40x128xf32, #tpu.memory_space<vmem>>, vector<1x16xf32>,
      %get3A_122 = vector.shape_cast %get3A_121 : vector<1x16xf32> to vector<16xf32>
      %get3A_123 = arith.index_cast %scan3A_82 : i32 to index
      %get3A_124 = arith.constant 32 : index
      %get3A_125 = tpu.vector_load %arg10[%get3A_123, %get3A_124] {strides = array<i32>} : memref<40x128xf32, #tpu.memory_space<vmem>>, vector<1x16xf32>,
      %get3A_126 = vector.shape_cast %get3A_125 : vector<1x16xf32> to vector<16xf32>
      %swap3A_127 = arith.index_cast %scan3A_82 : i32 to index
      %swap3A_128 = arith.constant 32 : index
      %swap3A_129 = tpu.vector_load %arg12[%swap3A_127, %swap3A_128] {strides = array<i32>} : memref<40x128xf32, #tpu.memory_space<vmem>>, vector<1x16xf32>,
      %swap3A_130 = vector.shape_cast %swap3A_129 : vector<1x16xf32> to vector<16xf32>
      %swap3A_131 = vector.shape_cast %get3A_122 : vector<16xf32> to vector<1x16xf32>
      tpu.vector_store %arg12[%swap3A_127, %swap3A_128], %swap3A_131 {strides = array<i32>} : memref<40x128xf32, #tpu.memory_space<vmem>>, vector<1x16xf32>,
      %sub3A_132 = arith.subf %get3A_126, %get3A_122 : vector<16xf32>
      %swap3A_133 = arith.index_cast %scan3A_82 : i32 to index
      %swap3A_134 = arith.constant 96 : index
      %swap3A_135 = tpu.vector_load %arg12[%swap3A_133, %swap3A_134] {strides = array<i32>} : memref<40x128xf32, #tpu.memory_space<vmem>>, vector<1x16xf32>,
      %swap3A_136 = vector.shape_cast %swap3A_135 : vector<1x16xf32> to vector<16xf32>
      %swap3A_137 = vector.shape_cast %sub3A_132 : vector<16xf32> to vector<1x16xf32>
      tpu.vector_store %arg12[%swap3A_133, %swap3A_134], %swap3A_137 {strides = array<i32>} : memref<40x128xf32, #tpu.memory_space<vmem>>, vector<1x16xf32>,
      %get3A_138 = arith.index_cast %scan3A_82 : i32 to index
      %get3A_139 = arith.constant 48 : index
      %get3A_140 = tpu.vector_load %arg8[%get3A_138, %get3A_139] {strides = array<i32>} : memref<40x128xf32, #tpu.memory_space<vmem>>, vector<1x16xf32>,
      %get3A_141 = vector.shape_cast %get3A_140 : vector<1x16xf32> to vector<16xf32>
      %get3A_142 = arith.index_cast %scan3A_82 : i32 to index
      %get3A_143 = arith.constant 48 : index
      %get3A_144 = tpu.vector_load %arg10[%get3A_142, %get3A_143] {strides = array<i32>} : memref<40x128xf32, #tpu.memory_space<vmem>>, vector<1x16xf32>,
      %get3A_145 = vector.shape_cast %get3A_144 : vector<1x16xf32> to vector<16xf32>
      %swap3A_146 = arith.index_cast %scan3A_82 : i32 to index
      %swap3A_147 = arith.constant 48 : index
      %swap3A_148 = tpu.vector_load %arg12[%swap3A_146, %swap3A_147] {strides = array<i32>} : memref<40x128xf32, #tpu.memory_space<vmem>>, vector<1x16xf32>,
      %swap3A_149 = vector.shape_cast %swap3A_148 : vector<1x16xf32> to vector<16xf32>
      %swap3A_150 = vector.shape_cast %get3A_141 : vector<16xf32> to vector<1x16xf32>
      tpu.vector_store %arg12[%swap3A_146, %swap3A_147], %swap3A_150 {strides = array<i32>} : memref<40x128xf32, #tpu.memory_space<vmem>>, vector<1x16xf32>,
      %sub3A_151 = arith.subf %get3A_145, %get3A_141 : vector<16xf32>
      %swap3A_152 = arith.index_cast %scan3A_82 : i32 to index
      %swap3A_153 = arith.constant 112 : index
      %swap3A_154 = tpu.vector_load %arg12[%swap3A_152, %swap3A_153] {strides = array<i32>} : memref<40x128xf32, #tpu.memory_space<vmem>>, vector<1x16xf32>,
      %swap3A_155 = vector.shape_cast %swap3A_154 : vector<1x16xf32> to vector<16xf32>
      %swap3A_156 = vector.shape_cast %sub3A_151 : vector<16xf32> to vector<1x16xf32>
      tpu.vector_store %arg12[%swap3A_152, %swap3A_153], %swap3A_156 {strides = array<i32>} : memref<40x128xf32, #tpu.memory_space<vmem>>, vector<1x16xf32>,
      %scan3A_157 = arith.constant 0 : i32
      scf.yield %scan3A_157 : i32
    }
    %scan3A_61 = arith.constant 40 : i32
    %add3A_62 = arith.constant 124 : i32
    %add3A_63 = arith.addi %mul3A_2, %add3A_62 : i32
    %mul3A_64 = arith.constant 40 : i32
    %mul3A_65 = arith.muli %add3A_63, %mul3A_64 : i32
    %dma_start3A_66 = arith.constant 0 : i32
    %dma_start3A_67 = tpu.memref_slice %arg5[%mul3A_65, %dma_start3A_66] : memref<160000x128xf32, #tpu.memory_space<hbm>> -> memref<40x128xf32, #tpu.memory_space<hbm>>
    %dma_start3A_68 = arith.constant 0 : i32
    %dma_start3A_69 = tpu.memref_slice %arg5[%mul3A_65, %dma_start3A_68] : memref<160000x128xf32, #tpu.memory_space<hbm>> -> memref<40x128xf32, #tpu.memory_space<hbm>>
    tpu.enqueue_dma source(%arg12 : memref<40x128xf32, #tpu.memory_space<vmem>>) target(%dma_start3A_69 : memref<40x128xf32, #tpu.memory_space<hbm>>) target_semaphore(%arg18 : memref<!tpu.dma_semaphore, #tpu.memory_space<semaphore_mem>>)
    %dma_wait3A_70 = arith.constant 0 : i32
    %dma_wait3A_71 = arith.constant 0 : i32
    %dma_wait3A_72 = tpu.memref_slice %arg5[%dma_wait3A_70, %dma_wait3A_71] : memref<160000x128xf32, #tpu.memory_space<hbm>> -> memref<40x128xf32, #tpu.memory_space<hbm>>
    %dma_wait3A_73 = arith.constant 0 : i32
    %dma_wait3A_74 = arith.constant 0 : i32
    %dma_wait3A_75 = tpu.memref_slice %arg5[%dma_wait3A_73, %dma_wait3A_74] : memref<160000x128xf32, #tpu.memory_space<hbm>> -> memref<40x128xf32, #tpu.memory_space<hbm>>
    tpu.wait_dma2 semaphore(%arg18 : memref<!tpu.dma_semaphore, #tpu.memory_space<semaphore_mem>>) src(%arg12 : memref<40x128xf32, #tpu.memory_space<vmem>>) dst(%dma_wait3A_75 : memref<40x128xf32, #tpu.memory_space<hbm>>)
    %dma_wait3A_76 = arith.constant 0 : i32
    %dma_wait3A_77 = arith.constant 0 : i32
    %dma_wait3A_78 = tpu.memref_slice %arg5[%dma_wait3A_76, %dma_wait3A_77] : memref<160000x128xf32, #tpu.memory_space<hbm>> -> memref<40x128xf32, #tpu.memory_space<hbm>>
    %dma_wait3A_79 = arith.constant 0 : i32
    %dma_wait3A_80 = arith.constant 0 : i32
    %dma_wait3A_81 = tpu.memref_slice %arg5[%dma_wait3A_79, %dma_wait3A_80] : memref<160000x128xf32, #tpu.memory_space<hbm>> -> memref<40x128xf32, #tpu.memory_space<hbm>>
    tpu.wait_dma2 semaphore(%arg19 : memref<!tpu.dma_semaphore, #tpu.memory_space<semaphore_mem>>) src(%arg13 : memref<40x128xf32, #tpu.memory_space<vmem>>) dst(%dma_wait3A_81 : memref<40x128xf32, #tpu.memory_space<hbm>>)
    return
  }
}

</mosaic_0001>

<sc_bundles>
// kernel: _sc_gather_concat.3.cloned.1.call-start
scs
__scs_entry_jumppad:
0x0: {  	(pc) =	sbr.rel $0x88, $3  }
0x1: {  	(tag) =	ssettag $0x0;
	lr =	simm.s32 $0x1  }
0x2: {  	[smem:$0x3F9E] =	sst lr;
	_ =	strace $0xD0000000  }
0x3: {  	_ = 	snop  }
0x4: {  	_ = 	snop  }
0x5: {  	_ = 	snop  }
0x6: {  	_ = 	snop  }
0x7: {  	_ = 	snop  }
__scs_overlays_trampoline_lowered:
0x8: {  	[smem:$0x3FAD] =	sst s0  }
0x9: {  	[smem:$0x3FAE] =	sst s1  }
0xa: {  	[smem:$0x3FAF] =	sst s2  }
0xb: {  	[smem:$0x3FB0] =	sst s3  }
0xc: {  	[smem:$0x3FB1] =	sst s4  }
0xd: {  	[smem:$0x3FB2] =	sst s5  }
0xe: {  	[smem:$0x3FB3] =	sst s6  }
0xf: {  	[smem:$0x3FB4] =	sst s7  }
0x10: {  	[smem:$0x3FB5] =	sst s8  }
0x11: {  	[smem:$0x3FB6] =	sst s9;
	s0 =	simm.s32 @!p0 $0x0  }
0x12: {  	s1 =	sld [smem:$0x3F9C];
	s0 =	simm.s32 @p0 $0x1  }
0x13: {  	[smem:$0x3FB7] =	sst s0;
	s0 =	simm.s32 @!p1 $0x0  }
0x14: {  	s2 =	sld [smem:$0x3F9B];
	s0 =	simm.s32 @p1 $0x1  }
0x15: {  	[smem:$0x3FB8] =	sst s0;
	s0 =	simm.s32 @!p2 $0x0  }
0x16: {  	s3 =	sld [smem:$0x3FDB];
	s0 =	simm.s32 @p2 $0x1  }
0x17: {  	s4 =	simm.s32 $0x1BF5;
	[smem:$0x3FBA] =	sst s0  }
0x18: {  	s0 =	sld [smem:$0x3F9D];
	_ =	swait.ge [sflag:s4], $0x0  }
0x19: {  	s7 =	sld [smem:$0x3F9E]  }
0x1a: {  	s8 =	sadd.s32 $0xFFFFE003, lr  }
0x1b: {  	s9 =	sadd.s32 $0xFFFFFEF7, lr;
	s5 =	simm.s32 $0xFFFFFFFF;
	p2 =	slt.u32 s8, $0xFFFFF086  }
0x1c: {  	p1 =	slt.u32 s9, $0xF7A;
	s5 =	simm.s32 @!p2 $0x0  }
0x1d: {  	s5 =	simm.s32 @p1 $0x1;
	p0 =	seq.s32 s7, s2  }
0x1e: {  	s7 =	smul.u32 @!p0 $0xF7A, s2;
	p2 =	seq.s32 @!p0 s5, $0x0  }
0x1f: {  	s9 =	smul.u32 $0xF7A, s1;
	s8 =	simm.s32 @!p0 $0x1BF5;
	p2 =	por !p2, p0  }
0x20: {  	[sflag:s8] =	ssyncset.s32 @!p0 $0xFFFFF086;
	s6 =	sadd.s32 @!p0 s3, s7;
	s7 =	simm.s32 @!p0 $0x108  }
0x21: {  	s3 =	sadd.s32 s3, s9;
	s6 =	sadd.s32 @!p0 $0x88, s6;
	s7 =	simm.s32 @p2 $0x1082  }
0x22: {  	[simem:s7], [sflag:s8] =	dma.local @!p0 [hbm:s6], $0xF7A  }
0x23: {  	s9 =	sor.u32 $0xD0000000, s2;
	s6 =	simm.s32 $0x108;
	_ =	swait.ge @!p0 [sflag:s8], $0x0  }
0x24: {  	s3 =	sadd.s32 $0x88, s3;
	s6 =	simm.s32 @!p1 $0x1082;
	[sflag:s4] =	ssyncset.s32 $0xFFFFF086  }
0x25: {  	[simem:s6], [sflag:s4] =	dma.local [hbm:s3], $0xF7A  }
0x26: {  	[smem:$0x3F9E] =	sst s1;
	(tag) =	ssettag s2;
	_ =	strace s9  }
0x27: {  	s1 =	sld [smem:$0x3FAE]  }
0x28: {  	s2 =	sld [smem:$0x3FAF]  }
0x29: {  	s4 =	sld [smem:$0x3FB1]  }
0x2a: {  	p0 =	seq.s32 s5, $0x0;
	s5 =	sld [smem:$0x3FB2]  }
0x2b: {  	s6 =	sld [smem:$0x3FB3]  }
0x2c: {  	s7 =	sld [smem:$0x3FB4]  }
0x2d: {  	s3 =	simm.s32 $0x108;
	s8 =	sld [smem:$0x3FB5]  }
0x2e: {  	s3 =	simm.s32 @!p0 $0x1082;
	s9 =	sld [smem:$0x3FB6]  }
0x2f: {  	lr =	sadd.s32 s0, s3;
	s0 =	sld [smem:$0x3FAD]  }
0x30: {  	s3 =	sld [smem:$0x3FB0]  }
0x31: {  	[smem:$0x3FB9] =	sst s10  }
0x32: {  	s10 =	sld [smem:$0x3FB7];
	_ =	sdelay $0x3  }
0x33: {  	p0 =	seq.s32 s10, $0x1;
	s10 =	sld [smem:$0x3FB9];
	_ =	sdelay $0x3  }
0x34: {  	[smem:$0x3FB9] =	sst s10  }
0x35: {  	s10 =	sld [smem:$0x3FB8];
	_ =	sdelay $0x3  }
0x36: {  	p1 =	seq.s32 s10, $0x1;
	s10 =	sld [smem:$0x3FB9];
	_ =	sdelay $0x3  }
0x37: {  	[smem:$0x3FB9] =	sst s10  }
0x38: {  	s10 =	sld [smem:$0x3FBA]  }
0x39: {  	_ = 	snop;
	(pc) =	sbr.ind lr, $3  }
0x3a: {  	_ = 	snop  }
0x3b: {  	_ = 	snop  }
0x3c: {  	p2 =	seq.s32 s10, $0x1;
	s10 =	sld [smem:$0x3FB9]  }
0x3d: {  	_ =	shalt  }
0x3e: {  	_ =	shalt  }
0x3f: {  	_ =	shalt  }
0x40: {  	_ =	shalt  }
0x41: {  	_ =	shalt  }
0x42: {  	_ =	shalt  }
0x43: {  	_ =	shalt  }
0x44: {  	_ =	shalt  }
0x45: {  	_ =	shalt  }
0x46: {  	_ =	shalt  }
0x47: {  	_ =	shalt  }
0x48: {  	_ =	shalt  }
0x49: {  	_ =	shalt  }
0x4a: {  	_ =	shalt  }
0x4b: {  	_ =	shalt  }
0x4c: {  	_ =	shalt  }
0x4d: {  	_ =	shalt  }
0x4e: {  	_ =	shalt  }
0x4f: {  	_ =	shalt  }
0x50: {  	_ =	shalt  }
0x51: {  	_ =	shalt  }
0x52: {  	_ =	shalt  }
0x53: {  	_ =	shalt  }
0x54: {  	_ =	shalt  }
0x55: {  	_ =	shalt  }
0x56: {  	_ =	shalt  }
0x57: {  	_ =	shalt  }
0x58: {  	_ =	shalt  }
0x59: {  	_ =	shalt  }
0x5a: {  	_ =	shalt  }
0x5b: {  	_ =	shalt  }
0x5c: {  	_ =	shalt  }
0x5d: {  	_ =	shalt  }
0x5e: {  	_ =	shalt  }
0x5f: {  	_ =	shalt  }
0x60: {  	_ =	shalt  }
0x61: {  	_ =	shalt  }
0x62: {  	_ =	shalt  }
0x63: {  	_ =	shalt  }
0x64: {  	_ =	shalt  }
0x65: {  	_ =	shalt  }
0x66: {  	_ =	shalt  }
0x67: {  	_ =	shalt  }
0x68: {  	_ =	shalt  }
0x69: {  	_ =	shalt  }
0x6a: {  	_ =	shalt  }
0x6b: {  	_ =	shalt  }
0x6c: {  	_ =	shalt  }
0x6d: {  	_ =	shalt  }
0x6e: {  	_ =	shalt  }
0x6f: {  	_ =	shalt  }
0x70: {  	_ =	shalt  }
0x71: {  	_ =	shalt  }
0x72: {  	_ =	shalt  }
0x73: {  	_ =	shalt  }
0x74: {  	_ =	shalt  }
0x75: {  	_ =	shalt  }
0x76: {  	_ =	shalt  }
0x77: {  	_ =	shalt  }
0x78: {  	_ =	shalt  }
0x79: {  	_ =	shalt  }
0x7a: {  	_ =	shalt  }
0x7b: {  	_ =	shalt  }
0x7c: {  	_ =	shalt  }
0x7d: {  	_ =	shalt  }
0x7e: {  	_ =	shalt  }
0x7f: {  	_ =	shalt  }
0x80: {  	_ =	shalt  }
0x81: {  	_ =	shalt  }
0x82: {  	_ =	shalt  }
0x83: {  	_ =	shalt  }
0x84: {  	_ =	shalt  }
0x85: {  	_ =	shalt  }
0x86: {  	_ =	shalt  }
0x87: {  	_ =	shalt  }
.Lfunc_end0:
.L_simem_size_0:
called_computation_lowered:
.L_overlay_start_0:
0x88: {  	s2 =	sld [smem:$0x3FD9]  }
0x89: {  	s3 =	sld [smem:$0x3FFE];
	_ =	sdelay $0x1  }
0x8a: {  	s1 =	srdreg.scid  }
0x8b: {  	s0 =	sand.u32 $0x1, s1  }
0x8c: {  	s17 =	sshll.u32 s0, $0xA;
	s2 =	sadd.s32 s3, s2  }
0x8d: {  	s2 =	sadd.s32 s2, s17  }
0x8e: {  	[smem:$0x3FC5] =	sst s2  }
0x8f: {  	_ = 	snop  }
0x90: {  	s2 =	sld [smem:$0x3FC9]  }
0x91: {  	s18 =	sld [smem:$0x3FD0];
	(tm) =	ssettm $0x1  }
0x92: {  	s4 =	sld [smem:$0x3FFB];
	_ =	sdelay $0x3  }
0x93: {  	_ =	strace s4  }
0x94: {  	s4 =	sld [smem:$0x3FFC];
	_ =	sdelay $0x3  }
0x95: {  	_ =	strace s4  }
0x96: {  	s4 =	sld [smem:$0x3FFD];
	_ =	sdelay $0x3  }
0x97: {  	_ =	strace s4  }
0x98: {  	_ =	strace $0x8FFFFFFF  }
0x99: {  	s19 =	sld [smem:$0x3FDB];
	_ =	sdelay $0x1  }
0x9a: {  	s5 =	simm.s32 $_scs_section_size  }
0x9b: {  	s6 =	simm.s32 $_size__tile_overlayer_lowered;
	s7 =	simm.s32 $_tile_overlayer_lowered  }
0x9c: {  	s22 =	simm.s32 $0x1BFF;
	s21 =	sshll.u32 s7, $0x1;
	s4 =	sadd.s32 s5, s19  }
0x9d: {  	s8 =	simm.s32 $0x0;
	s20 =	sshll.u32 s6, $0x1;
	s6 =	sadd.s32 s21, s4  }
0x9e: {  	[timem:s8], [sflag:s22] =	dma.local [hbm:s6], s20  }
0x9f: {  	_ =	swait.ge [sflag:s22], s20  }
0xa0: {  	s5 =	ssub.s32 $0x0, s20;
	[sflag:s22] =	ssyncset.done $0x0  }
0xa1: {  	[sflag:s22] =	ssyncadd.s32 s5;
	_ =	sdelay $0x1  }
0xa2: {  	s23 =	simm.s32 $0x1B8B  }
0xa3: {  	_ =	swait.ge [sflag:s23], $0x1  }
0xa4: {  	[sflag:s23] =	ssyncset.done $0x0  }
0xa5: {  	s25 =	simm.s32 $0x1B8E;
	s24 =	sld [smem:$0x3FFE];
	[sflag:s23] =	ssyncadd.s32 $0xFFFFFFFF  }
0xa6: {  	s26 =	simm.s32 $execute0_lowered;
	[smem:$0x3FD2] =	sst s25  }
0xa7: {  	s6 =	sshll.u32 s26, $0x1;
	_ =	strace $0x80000046;
	[dreg:$0x1] =	wrdreg $0xFFFFFFFF  }
0xa8: {  	s28 =	simm.s32 $_size_execute0_lowered;
	s4 =	sadd.s32 s4, s6;
	[dreg:$0x0] =	wrdreg $0x0  }
0xa9: {  	s6 =	sshll.u32 s28, $0x1;
	[dreg:$0x2] =	wrdreg s4  }
0xaa: {  	[dreg:$0x3] =	wrdreg s6  }
0xab: {  	[dreg:$0x4] =	wrdreg $0xC0  }
0xac: {  	_ =	task [dreg:s8], $0x5FFFF  }
0xad: {  	[dreg:$0x1] =	wrdreg $0xFFFFFFFF  }
0xae: {  	[dreg:$0x0] =	wrdreg $0x60  }
0xaf: {  	[dreg:$0x2] =	wrdreg s2  }
0xb0: {  	[dreg:$0x3] =	wrdreg s24  }
0xb1: {  	[dreg:$0x4] =	wrdreg s18  }
0xb2: {  	[dreg:$0x5] =	wrdreg $0x9  }
0xb3: {  	_ =	task.clear_ibuf [dreg:s8], $0x6FFFF;
	_ =	strace $0x90000046  }
0xb4: {  	s29 =	simm.s32 $0x9;
	_ =	strace $0x80000048  }
0xb5: {  	_ =	swait.ge [sflag:s29], $0x1  }
0xb6: {  	[sflag:s29] =	ssyncadd.s32 $0xFFFFFFFF  }
0xb7: {  	_ =	strace $0x90000048  }
0xb8: {  	_ =	sfence  }
0xb9: {  	s30 =	sld [smem:$0x0];
	_ =	sdelay $0x2  }
0xba: {  	s31 =	sshll.u32 s1, $0xD;
	s1 =	sshrl.u32 s1, $0x2  }
0xbb: {  	s3 =	sand.u32 $0x4000, s31;
	s1 =	sadd.s32 s1, s30  }
0xbc: {  	s0 =	sor.u32 s3, s0;
	s1 =	sshll.u32 s1, $0x11  }
0xbd: {  	s0 =	sor.u32 s1, s0  }
0xbe: {  	s0 =	sadd.s32 $0x8F2B, s0  }
0xbf: {  	[sflag:s0] =	ssyncadd.remote.s32 $0x1  }
0xc0: {  	_ =	sfence.sel $0xFFFF  }
0xc1: {  	[dreg:$0x0] =	wrdreg $0xFFFFFFFF;
	(pc) =	sbr.abs _section_cstart, $3  }
0xc2: {  	[dreg:$0x1] =	wrdreg $0xFFFFFFFF  }
0xc3: {  	_ =	task.clear_ibuf [dreg:s8], $0x2FFFF;
	_ =	strace $0x9FFFFFFF  }
0xc4: {  	(tm) =	ssettm $0x7FFFFFFF  }
0xc5: {  	_ =	shalt  }
tec
execute0_lowered:
.L_overlay_start_1:
0x0: {  	(tag) =	ssettag $0x1  }
0x1: {  	s1 =	rddreg [dreg:$0x0]  }
0x2: {  	s0 =	rddreg [dreg:$0x1]  }
0x3: {  	s3 =	rddreg [dreg:$0x2]  }
0x4: {  	s2 =	srdreg.scid;
	s5 =	stileid.u32  }
0x5: {  	s4 =	simm.s32 $0x0;
	s11 =	simm.s32 $0x7;
	s12 =	simm.s32 $0x4000  }
0x6: {  	s13 =	simm.s32 $0x28;
	s14 =	simm.s32 $0x8000;
	s15 =	simm.s32 $0xA800  }
0x7: {  	s17 =	simm.s32 $0x9400;
	s19 =	simm.s32 $0xBC00;
	s20 =	simm.s32 $0x1  }
0x8: {  	s21 =	simm.s32 $0x3;
	s22 =	simm.s32 $0xD000;
	s23 =	simm.s32 $0x2  }
0x9: {  	s24 =	simm.s32 $0x4;
	s25 =	simm.s32 $0xE400;
	s26 =	simm.s32 $0x5  }
0xa: {  	s28 =	simm.s32 $0x6;
	s2 =	sand.u32 $0x1, s2;
	s5 =	sshll.u32 s5, $0x1  }
0xb: {  	s29 =	simm.s32 $0x0;
	[smem:$0x7FF] =	sst s4;
	s5 =	sor.u32 s2, s5  }
0xc: {  	s2 =	ssub.s32 $0x2, s2;
	_ =	strace $0x80000047;
	s7 =	smul.u32 $0x9C400, s5  }
0xd: {  	s6 =	sshll.u32 s5, $0xB;
	s30 =	sshrl.u32 s2, $0x1;
	s5 =	smul.u32 $0x7D, s5  }
0xe: {  	s0 =	sadd.s32 s6, s0;
	s2 =	ssub.s32 s2, s30;
	s8 =	sshrl.u32 s7, $0x3  }
0xf: {  	s6 =	sadd.s32 $0x400, s0;
	s7 =	sadd.s32 $0x10400, s0;
	s31 =	sadd.s32 s3, s8  }
0x10: {  	s10 =	smax.u32 s2, $0x1;
	s8 =	sadd.s32 $0x1, s5;
	s9 =	sadd.s32 $0x13600, s31  }
.LBB2_1:
0x11: {  	[tilespmem:s4], [sflag:$0x7] =	stream.linear.gather [hbm4b:s6+s4], $0x3E80, $0x38;
	[tilespmem:$0xF800] =	vst v63  }
0x12: {  	_ =	swait.ge [sflag:s11], $0x3E80  }
0x13: {  	[sflag:s11] =	ssyncset.done $0x0  }
0x14: {  	[sflag:s11] =	ssyncadd.s32 $0xFFFFC180  }
0x15: {  	[tilespmem:s12], [sflag:$0x7] =	stream.linear.gather [hbm4b:s7+s4], $0x3E80, $0x38;
	[tilespmem:$0xF800] =	vst v63  }
0x16: {  	_ =	swait.ge [sflag:s11], $0x3E80  }
0x17: {  	[sflag:s11] =	ssyncset.done $0x0  }
0x18: {  	[sflag:s11] =	ssyncadd.s32 $0xFFFFC180  }
0x19: {  	[tilespmem:s14], [sflag:$0x1] =	stream.indirect.gather [hbm4b:s1+s13], $0x80, s4, s13, $0xb8;
	[tilespmem:$0xF800] =	vst v63  }
0x1a: {  	_ = 	snop  }
0x1b: {  	[tilespmem:s15], [sflag:$0x3] =	stream.indirect.gather [hbm4b:s1+s13], $0x80, s12, s13, $0xb8;
	[tilespmem:$0xF800] =	vst v63  }
0x1c: {  	s0 =	simm.s32 $0x80  }
0x1d: {  	[tilespmem:s17], [sflag:$0x2] =	stream.indirect.gather [hbm4b:s1+s13], $0x80, s0, s13, $0xb8;
	[tilespmem:$0xF800] =	vst v63  }
0x1e: {  	s31 =	simm.s32 $0x4080;
	s30 =	simm.s32 $0x0  }
0x1f: {  	[tilespmem:s19], [sflag:$0x4] =	stream.indirect.gather [hbm4b:s1+s13], $0x80, s31, s13, $0xb8;
	[tilespmem:$0xF800] =	vst v63  }
.LBB2_2:
0x20: {  	_ =	swait.ge [sflag:s20], $0x1400  }
0x21: {  	[sflag:s20] =	ssyncset.done $0x0  }
0x22: {  	[sflag:s20] =	ssyncadd.s32 $0xFFFFEC00  }
0x23: {  	_ =	swait.ge [sflag:s21], $0x1400  }
0x24: {  	p0 =	seq.s32 s30, $0x0;
	[sflag:s21] =	ssyncset.done $0x0  }
0x25: {  	s0 =	simm.s32 @!p0 $0x5;
	[sflag:s21] =	ssyncadd.s32 $0xFFFFEC00  }
0x26: {  	_ =	swait.ge @!p0 [sflag:s0], $0x1400  }
0x27: {  	[sflag:s0] =	ssyncset.done @!p0 $0x0  }
0x28: {  	s2 =	simm.s32 $0x0;
	[sflag:s0] =	ssyncadd.s32 @!p0 $0xFFFFEC00  }
0x29: {  	v2 =	vld [tilespmem:s2+$0x8030]  }
0x2a: {  	v4 =	vld [tilespmem:s2+$0xA830]  }
0x2b: {  	v5 =	vld [tilespmem:s2+$0x8000]  }
0x2c: {  	v6 =	vld [tilespmem:s2+$0xA800]  }
0x2d: {  	v1 =	vld [tilespmem:s2+$0x8010]  }
0x2e: {  	v3 =	vld [tilespmem:s2+$0xA810]  }
0x2f: {  	v0 =	vld [tilespmem:s2+$0x8020];
	[tilespmem:s2+$0xD030] =	vst v2;
	v7 =	vsub.f32 v4, v2  }
0x30: {  	s0 =	simm.s32 $0x80;
	[tilespmem:s2+$0xD000] =	vst v5;
	v4 =	vld [tilespmem:s2+$0xA820]  }
0x31: {  	s31 =	sshll.u32 s30, $0x1;
	s16 =	simm.s32 $0x400;
	v5 =	vsub.f32 v6, v5;
	v2 =	vld [tilespmem:s0+$0x8030];
	[tilespmem:s2+$0xD070] =	vst v7  }
.LBB2_3:
0x32: {  	p1 =	sne.s32 s16, $0x4E00;
	v6 =	vld [tilespmem:s0+$0xA830];
	[tilespmem:s2+$0xD010] =	vst v1  }
0x33: {  	v7 =	vld [tilespmem:s0+$0x8000];
	[tilespmem:s2+$0xD040] =	vst v5;
	v3 =	vsub.f32 v3, v1  }
0x34: {  	v5 =	vld [tilespmem:s0+$0xA800];
	[tilespmem:s2+$0xD020] =	vst v0  }
.Ltmp0:
0x35: {  	v1 =	vld [tilespmem:s0+$0x8010];
	[tilespmem:s2+$0xD050] =	vst v3;
	v4 =	vsub.f32 v4, v0;
	(pc) =	sbr.rel @p1 .LBB2_3-.Ltmp0, $4  }
0x36: {  	v3 =	vld [tilespmem:s0+$0xA810];
	[tilespmem:s0+$0xD030] =	vst v2  }
0x37: {  	v0 =	vld [tilespmem:s0+$0x8020];
	v6 =	vsub.f32 v6, v2;
	[tilespmem:s2+$0xD060] =	vst v4;
	s2 =	smov.u32 s0  }
0x38: {  	s0 =	sshra.s32 s16, $0x2;
	[tilespmem:s2+$0xD000] =	vst v7;
	v4 =	vld [tilespmem:s2+$0xA820]  }
0x39: {  	s16 =	sadd.s32 $0x200, s16;
	v2 =	vld [tilespmem:s0+$0x8030];
	v5 =	vsub.f32 v5, v7;
	[tilespmem:s2+$0xD070] =	vst v6  }
0x3a: {  	v6 =	vld [tilespmem:s0+$0xA830];
	[tilespmem:s2+$0xD010] =	vst v1  }
0x3b: {  	v7 =	vld [tilespmem:s0+$0x8000];
	[tilespmem:s2+$0xD040] =	vst v5;
	v1 =	vsub.f32 v3, v1  }
0x3c: {  	v5 =	vld [tilespmem:s0+$0xA800];
	[tilespmem:s2+$0xD020] =	vst v0  }
0x3d: {  	v3 =	vld [tilespmem:s0+$0x8010];
	[tilespmem:s2+$0xD050] =	vst v1;
	v0 =	vsub.f32 v4, v0  }
0x3e: {  	v1 =	vld [tilespmem:s0+$0xA810];
	[tilespmem:s0+$0xD030] =	vst v2  }
0x3f: {  	v4 =	vld [tilespmem:s0+$0x8020];
	[tilespmem:s2+$0xD060] =	vst v0  }
0x40: {  	v0 =	vsub.f32 v6, v2;
	v2 =	vld [tilespmem:s0+$0xA820]  }
0x41: {  	[tilespmem:s0+$0xD000] =	vst v7  }
0x42: {  	v5 =	vsub.f32 v5, v7;
	[tilespmem:s0+$0xD070] =	vst v0  }
0x43: {  	[tilespmem:s0+$0xD010] =	vst v3  }
0x44: {  	s18 =	sadd.s32 s5, s31;
	[tilespmem:s0+$0xD040] =	vst v5;
	v0 =	vsub.f32 v1, v3  }
0x45: {  	s2 =	smul.u32 $0x280, s18;
	[tilespmem:s0+$0xD020] =	vst v4;
	v1 =	vsub.f32 v2, v4  }
0x46: {  	[tilespmem:s0+$0xD050] =	vst v0  }
0x47: {  	s2 =	sadd.s32 s3, s2;
	[tilespmem:s0+$0xD060] =	vst v1;
	s0 =	sshll.u32 s30, $0x8  }
0x48: {  	[hbm4b:s2+s4] =	stream.linear.scatter [tilespmem:s22], [sflag:$0x5], $0x1400, $0x38;
	[tilespmem:$0xF800] =	vst v63  }
0x49: {  	s16 =	sadd.s32 $0x100, s0  }
0x4a: {  	[tilespmem:s14], [sflag:$0x1] =	stream.indirect.gather [hbm4b:s1+s13], $0x80, s16, s13, $0xb8;
	[tilespmem:$0xF800] =	vst v63  }
0x4b: {  	s18 =	sadd.s32 $0x4100, s0  }
0x4c: {  	[tilespmem:s15], [sflag:$0x3] =	stream.indirect.gather [hbm4b:s1+s13], $0x80, s18, s13, $0xb8;
	[tilespmem:$0xF800] =	vst v63  }
0x4d: {  	_ =	swait.ge [sflag:s23], $0x1400  }
0x4e: {  	[sflag:s23] =	ssyncset.done $0x0  }
0x4f: {  	[sflag:s23] =	ssyncadd.s32 $0xFFFFEC00  }
0x50: {  	_ =	swait.ge [sflag:s24], $0x1400  }
0x51: {  	[sflag:s24] =	ssyncset.done $0x0  }
0x52: {  	s2 =	simm.s32 @!p0 $0x6;
	[sflag:s24] =	ssyncadd.s32 $0xFFFFEC00  }
0x53: {  	_ =	swait.ge @!p0 [sflag:s2], $0x1400  }
0x54: {  	[sflag:s2] =	ssyncset.done @!p0 $0x0  }
0x55: {  	s16 =	simm.s32 $0x0;
	[sflag:s2] =	ssyncadd.s32 @!p0 $0xFFFFEC00  }
0x56: {  	v2 =	vld [tilespmem:s16+$0x9430]  }
0x57: {  	v4 =	vld [tilespmem:s16+$0xBC30]  }
0x58: {  	v5 =	vld [tilespmem:s16+$0x9400]  }
0x59: {  	v6 =	vld [tilespmem:s16+$0xBC00]  }
0x5a: {  	v1 =	vld [tilespmem:s16+$0x9410]  }
0x5b: {  	v3 =	vld [tilespmem:s16+$0xBC10]  }
0x5c: {  	v0 =	vld [tilespmem:s16+$0x9420];
	[tilespmem:s16+$0xE430] =	vst v2;
	v7 =	vsub.f32 v4, v2  }
0x5d: {  	s2 =	simm.s32 $0x80;
	[tilespmem:s16+$0xE400] =	vst v5;
	v4 =	vld [tilespmem:s16+$0xBC20]  }
0x5e: {  	s18 =	simm.s32 $0x400;
	v5 =	vsub.f32 v6, v5;
	v2 =	vld [tilespmem:s2+$0x9430];
	[tilespmem:s16+$0xE470] =	vst v7  }
.LBB2_5:
0x5f: {  	p0 =	sne.s32 s18, $0x4E00;
	v6 =	vld [tilespmem:s2+$0xBC30];
	[tilespmem:s16+$0xE410] =	vst v1  }
0x60: {  	v7 =	vld [tilespmem:s2+$0x9400];
	[tilespmem:s16+$0xE440] =	vst v5;
	v3 =	vsub.f32 v3, v1  }
0x61: {  	v5 =	vld [tilespmem:s2+$0xBC00];
	[tilespmem:s16+$0xE420] =	vst v0  }
.Ltmp1:
0x62: {  	v1 =	vld [tilespmem:s2+$0x9410];
	[tilespmem:s16+$0xE450] =	vst v3;
	v4 =	vsub.f32 v4, v0;
	(pc) =	sbr.rel @p0 .LBB2_5-.Ltmp1, $4  }
0x63: {  	v3 =	vld [tilespmem:s2+$0xBC10];
	[tilespmem:s2+$0xE430] =	vst v2  }
0x64: {  	v0 =	vld [tilespmem:s2+$0x9420];
	v6 =	vsub.f32 v6, v2;
	[tilespmem:s16+$0xE460] =	vst v4;
	s16 =	smov.u32 s2  }
0x65: {  	s2 =	sshra.s32 s18, $0x2;
	[tilespmem:s16+$0xE400] =	vst v7;
	v4 =	vld [tilespmem:s16+$0xBC20]  }
0x66: {  	s18 =	sadd.s32 $0x200, s18;
	v2 =	vld [tilespmem:s2+$0x9430];
	v5 =	vsub.f32 v5, v7;
	[tilespmem:s16+$0xE470] =	vst v6  }
0x67: {  	v6 =	vld [tilespmem:s2+$0xBC30];
	[tilespmem:s16+$0xE410] =	vst v1  }
0x68: {  	v7 =	vld [tilespmem:s2+$0x9400];
	[tilespmem:s16+$0xE440] =	vst v5;
	v56 =	vsub.f32 v3, v1  }
0x69: {  	v5 =	vld [tilespmem:s2+$0xBC00];
	[tilespmem:s16+$0xE420] =	vst v0  }
0x6a: {  	v57 =	vld [tilespmem:s2+$0x9410];
	[tilespmem:s16+$0xE450] =	vst v56;
	v58 =	vsub.f32 v4, v0  }
0x6b: {  	v1 =	vld [tilespmem:s2+$0xBC10];
	[tilespmem:s2+$0xE430] =	vst v2  }
0x6c: {  	v59 =	vld [tilespmem:s2+$0x9420];
	[tilespmem:s16+$0xE460] =	vst v58  }
0x6d: {  	v60 =	vsub.f32 v6, v2;
	v61 =	vld [tilespmem:s2+$0xBC20]  }
0x6e: {  	[tilespmem:s2+$0xE400] =	vst v7  }
0x6f: {  	v5 =	vsub.f32 v5, v7;
	[tilespmem:s2+$0xE470] =	vst v60  }
0x70: {  	p0 =	seq.s32 s30, $0x3D;
	[tilespmem:s2+$0xE410] =	vst v57  }
.Ltmp2:
0x71: {  	s18 =	sadd.s32 s31, s8;
	[tilespmem:s2+$0xE440] =	vst v5;
	v62 =	vsub.f32 v1, v57;
	(pc) =	sbr.rel @p0 .LBB2_8-.Ltmp2, $4  }
0x72: {  	s16 =	smul.u32 $0x280, s18;
	[tilespmem:s2+$0xE420] =	vst v59;
	v63 =	vsub.f32 v61, v59  }
0x73: {  	[tilespmem:s2+$0xE450] =	vst v62  }
0x74: {  	s31 =	sadd.s32 s3, s16;
	[tilespmem:s2+$0xE460] =	vst v63  }
0x75: {  	[hbm4b:s31+s4] =	stream.linear.scatter [tilespmem:s25], [sflag:$0x6], $0x1400, $0x38;
	[tilespmem:$0xF800] =	vst v63  }
.Ltmp3:
0x76: {  	(pc) =	sbr.rel .LBB2_2-.Ltmp3, $4  }
0x77: {  	s2 =	sadd.s32 $0x180, s0  }
0x78: {  	[tilespmem:s17], [sflag:$0x2] =	stream.indirect.gather [hbm4b:s1+s13], $0x80, s2, s13, $0xb8;
	[tilespmem:$0xF800] =	vst v63  }
0x79: {  	s31 =	sadd.s32 $0x4180, s0;
	s30 =	sadd.s32 $0x1, s30  }
0x7a: {  	[tilespmem:s19], [sflag:$0x4] =	stream.indirect.gather [hbm4b:s1+s13], $0x80, s31, s13, $0xb8;
	[tilespmem:$0xF800] =	vst v63  }
.LBB2_8:
0x7b: {  	_ =	swait.ge [sflag:s20], $0x1400  }
0x7c: {  	[sflag:s20] =	ssyncset.done $0x0  }
0x7d: {  	[sflag:s20] =	ssyncadd.s32 $0xFFFFEC00  }
0x7e: {  	_ =	swait.ge [sflag:s21], $0x1400  }
0x7f: {  	[sflag:s21] =	ssyncset.done $0x0  }
0x80: {  	[sflag:s21] =	ssyncadd.s32 $0xFFFFEC00  }
0x81: {  	_ =	swait.ge [sflag:s26], $0x1400  }
0x82: {  	[sflag:s26] =	ssyncset.done $0x0  }
0x83: {  	s0 =	simm.s32 $0x0;
	[sflag:s26] =	ssyncadd.s32 $0xFFFFEC00  }
0x84: {  	v2 =	vld [tilespmem:s0+$0x8030]  }
0x85: {  	v4 =	vld [tilespmem:s0+$0xA830]  }
0x86: {  	v5 =	vld [tilespmem:s0+$0x8000]  }
0x87: {  	v6 =	vld [tilespmem:s0+$0xA800]  }
0x88: {  	v1 =	vld [tilespmem:s0+$0x8010]  }
0x89: {  	v3 =	vld [tilespmem:s0+$0xA810]  }
0x8a: {  	v0 =	vld [tilespmem:s0+$0x8020];
	[tilespmem:s0+$0xD030] =	vst v2;
	v7 =	vsub.f32 v4, v2  }
0x8b: {  	s2 =	simm.s32 $0x80;
	[tilespmem:s0+$0xD000] =	vst v5;
	v4 =	vld [tilespmem:s0+$0xA820]  }
0x8c: {  	s16 =	simm.s32 $0x400;
	v5 =	vsub.f32 v6, v5;
	v2 =	vld [tilespmem:s2+$0x8030];
	[tilespmem:s0+$0xD070] =	vst v7  }
.LBB2_9:
0x8d: {  	p0 =	sne.s32 s16, $0x4E00;
	v6 =	vld [tilespmem:s2+$0xA830];
	[tilespmem:s0+$0xD010] =	vst v1  }
0x8e: {  	v7 =	vld [tilespmem:s2+$0x8000];
	[tilespmem:s0+$0xD040] =	vst v5;
	v3 =	vsub.f32 v3, v1  }
0x8f: {  	v5 =	vld [tilespmem:s2+$0xA800];
	[tilespmem:s0+$0xD020] =	vst v0  }
.Ltmp4:
0x90: {  	v1 =	vld [tilespmem:s2+$0x8010];
	[tilespmem:s0+$0xD050] =	vst v3;
	v4 =	vsub.f32 v4, v0;
	(pc) =	sbr.rel @p0 .LBB2_9-.Ltmp4, $4  }
0x91: {  	v3 =	vld [tilespmem:s2+$0xA810];
	[tilespmem:s2+$0xD030] =	vst v2  }
0x92: {  	v0 =	vld [tilespmem:s2+$0x8020];
	v6 =	vsub.f32 v6, v2;
	[tilespmem:s0+$0xD060] =	vst v4;
	s0 =	smov.u32 s2  }
0x93: {  	s2 =	sshra.s32 s16, $0x2;
	[tilespmem:s0+$0xD000] =	vst v7;
	v4 =	vld [tilespmem:s0+$0xA820]  }
0x94: {  	s16 =	sadd.s32 $0x200, s16;
	v2 =	vld [tilespmem:s2+$0x8030];
	v5 =	vsub.f32 v5, v7;
	[tilespmem:s0+$0xD070] =	vst v6  }
0x95: {  	v6 =	vld [tilespmem:s2+$0xA830];
	[tilespmem:s0+$0xD010] =	vst v1  }
0x96: {  	v7 =	vld [tilespmem:s2+$0x8000];
	[tilespmem:s0+$0xD040] =	vst v5;
	v56 =	vsub.f32 v3, v1  }
0x97: {  	v5 =	vld [tilespmem:s2+$0xA800];
	[tilespmem:s0+$0xD020] =	vst v0  }
0x98: {  	v57 =	vld [tilespmem:s2+$0x8010];
	[tilespmem:s0+$0xD050] =	vst v56;
	v58 =	vsub.f32 v4, v0  }
0x99: {  	v1 =	vld [tilespmem:s2+$0xA810];
	[tilespmem:s2+$0xD030] =	vst v2  }
0x9a: {  	v59 =	vld [tilespmem:s2+$0x8020];
	[tilespmem:s0+$0xD060] =	vst v58  }
0x9b: {  	v60 =	vsub.f32 v6, v2;
	v61 =	vld [tilespmem:s2+$0xA820]  }
0x9c: {  	[tilespmem:s2+$0xD000] =	vst v7  }
0x9d: {  	v5 =	vsub.f32 v5, v7;
	[tilespmem:s2+$0xD070] =	vst v60  }
0x9e: {  	[tilespmem:s2+$0xD010] =	vst v57  }
0x9f: {  	[tilespmem:s2+$0xD040] =	vst v5;
	v62 =	vsub.f32 v1, v57  }
0xa0: {  	[tilespmem:s2+$0xD020] =	vst v59;
	v63 =	vsub.f32 v61, v59  }
0xa1: {  	[tilespmem:s2+$0xD050] =	vst v62  }
0xa2: {  	s29 =	sadd.s32 $0x1, s29;
	[tilespmem:s2+$0xD060] =	vst v63  }
0xa3: {  	[hbm4b:s9+s4] =	stream.linear.scatter [tilespmem:s22], [sflag:$0x5], $0x1400, $0x38;
	[tilespmem:$0xF800] =	vst v63  }
0xa4: {  	p0 =	sne.s32 s29, s10;
	_ =	swait.ge [sflag:s26], $0x1400  }
.Ltmp5:
0xa5: {  	[sflag:s26] =	ssyncset.done $0x0;
	(pc) =	sbr.rel @p0 .LBB2_1-.Ltmp5, $4  }
0xa6: {  	[sflag:s26] =	ssyncadd.s32 $0xFFFFEC00  }
0xa7: {  	_ =	swait.ge [sflag:s28], $0x1400  }
0xa8: {  	[sflag:s28] =	ssyncset.done $0x0  }
0xa9: {  	[sflag:s28] =	ssyncadd.s32 $0xFFFFEC00  }
0xaa: {  	_ =	sfence.sel $0x180000  }
0xab: {  	[bflag:$0x0] =	sbarrier.arrive $0xFFFF  }
0xac: {  	_ =	strace $0x90000047  }
0xad: {  	s0 =	stileid.u32;
	[bflag:$0x2] =	sbarrier.arrive $0xFFFF  }
0xae: {  	p0 =	sne.s32 s0, $0x0;
	s0 =	rddreg [dreg:$0x3]  }
0xaf: {  	s0 =	sadd.s32 @!p0 $0x100000, s0  }
0xb0: {  	[sflag:s0] =	ssyncadd.tile.s32 @!p0 $0x1;
	_ =	shalt  }
.Lfunc_end2:
_tile_overlayer_lowered:
.L_overlay_start_2:
0xb1: {  	(tag) =	ssettag $0x2  }
0xb2: {  	s0 =	rddreg [dreg:$0x0];
	s2 =	stileid.u32  }
0xb3: {  	s1 =	rddreg [dreg:$0x1];
	p0 =	sne.s32 s2, $0x0  }
0xb4: {  	s3 =	rddreg [dreg:$0x2];
	[bflag:$0x3] =	sbarrier.arrive $0xFFFF;
	s2 =	simm.s32 @!p0 $0x1C07  }
0xb5: {  	[timem:s3], [sflag:s2] =	dma.local @!p0 [hbm:s0], s1  }
0xb6: {  	s0 =	simm.s32 @!p0 $0x7  }
0xb7: {  	_ =	swait.ge @!p0 [sflag:s0], s1  }
0xb8: {  	s1 =	ssub.s32 @!p0 $0x0, s1;
	[sflag:s0] =	ssyncset.done @!p0 $0x0  }
0xb9: {  	[sflag:s0] =	ssyncadd.s32 @!p0 s1  }
0xba: {  	[bflag:$0x3] =	sbarrier.arrive $0xFFFF  }
0xbb: {  	_ =	shalt  }

</sc_bundles>
